<compile_context>
chip_gen: v7x
topology: tpu7x:2x2x1
jax: 0.10.2.dev20260603
libtpu: 0.0.44.dev20260713+nightly
codegen_flags: <defaults>
</compile_context>

<pallas_src>
import functools

import jax
import jax.numpy as jnp
import numpy as np
from jax import lax
from jax.experimental import pallas as pl
from jax.experimental.pallas import tpu as pltpu
from jax.experimental.pallas import tpu_sc as plsc

NUM_LABELS = 256
B = 8
N = 262144
NC = 2
NS = 16
ROWS_PER_CORE = B // NC
CHUNKS_PER_ROW = NS // ROWS_PER_CORE
CHUNK = N // CHUNKS_PER_ROW
LANES = 16
HSTRIDE = 257
NSUB = 4
SUB = CHUNK // NSUB


def _size_model_body(masks_hbm, out_hbm, data_v, hist_v, merged_v, tmp_v,
                     cnts_v, out_v, shared_sm, sem0, sem1):
    cid = lax.axis_index("c")
    sid = lax.axis_index("s")
    row = cid * ROWS_PER_CORE + sid // CHUNKS_PER_ROW
    q = sid % CHUNKS_PER_ROW

    def start(k, buf):
        return pltpu.async_copy(
            masks_hbm.at[row, pl.ds(q * CHUNK + k * SUB, SUB)],
            data_v.at[pl.ds(buf * SUB, SUB)],
            sem0 if buf == 0 else sem1,
        )

    copies = [start(0, 0), start(1, 1)]

    zeros = jnp.zeros((LANES,), jnp.int32)

    @plsc.parallel_loop(0, HSTRIDE, unroll=8)
    def _(j):
        hist_v[pl.ds(j * LANES, LANES)] = zeros

    lane_base = lax.iota(jnp.int32, LANES) * HSTRIDE
    ones = jnp.ones((LANES,), jnp.int32)

    for k in range(NSUB):
        copies[k].wait()
        base = (k % 2) * SUB

        @plsc.parallel_loop(0, SUB // LANES, unroll=16)
        def _(i):
            v = data_v[pl.ds(base + i * LANES, LANES)]
            plsc.addupdate_scatter(hist_v, [lane_base + v], ones)

        if k + 2 < NSUB:
            copies.append(start(k + 2, k % 2))

    @plsc.parallel_loop(0, NUM_LABELS // LANES, unroll=4)
    def _(c):
        acc = hist_v[pl.ds(c * LANES, LANES)]
        for l in range(1, LANES):
            acc = acc + hist_v[pl.ds(l * HSTRIDE + c * LANES, LANES)]
        merged_v[pl.ds(c * LANES, LANES)] = acc

    pltpu.sync_copy(merged_v, shared_sm.at[pl.ds(sid * NUM_LABELS, NUM_LABELS)])
    plsc.subcore_barrier()

    @pl.when(q == 0)
    def _():
        pltpu.sync_copy(
            shared_sm.at[pl.ds(sid * NUM_LABELS, CHUNKS_PER_ROW * NUM_LABELS)],
            tmp_v)
        lane_iota = lax.iota(jnp.int32, LANES)
        big = jnp.full((LANES,), 1 << 20, jnp.int32)

        @plsc.parallel_loop(0, NUM_LABELS // LANES, unroll=4)
        def _(c):
            acc = tmp_v[pl.ds(c * LANES, LANES)]
            for k in range(1, CHUNKS_PER_ROW):
                acc = acc + tmp_v[pl.ds(k * NUM_LABELS + c * LANES, LANES)]
            acc = jnp.where(c * LANES + lane_iota == 0, big, acc)
            cnts_v[pl.ds(c * LANES, LANES)] = acc

        lo0 = jnp.zeros((LANES,), jnp.int32)
        hi0 = jnp.full((LANES,), N // 128, jnp.int32)

        def step(_, lohi):
            lo, hi = lohi
            mid = (lo + hi) >> 1

            def inner(c, acc):
                ch = cnts_v[pl.ds(c * LANES, LANES)]
                return acc + plsc.all_reduce_population_count(ch <= mid)

            acc = lax.fori_loop(0, NUM_LABELS // LANES, inner,
                                jnp.zeros((LANES,), jnp.int32))
            ge = acc >= 128
            return jnp.where(ge, lo, mid + 1), jnp.where(ge, mid, hi)

        lo, _ = lax.fori_loop(0, 12, step, (lo0, hi0))

        x = lo.astype(jnp.float32)
        seed = jnp.full((LANES,), 0x5F3759DF, jnp.int32)
        y = plsc.bitcast(seed - (plsc.bitcast(x, jnp.int32) >> 1), jnp.float32)
        for _ in range(3):
            y = y * (1.5 - 0.5 * x * y * y)
        s = jnp.where(lo == 0, 0.0, x * y) * np.float32(2.0 / np.sqrt(np.pi))
        out_v[...] = s
        pltpu.sync_copy(out_v, out_hbm.at[row])


_size_model_sc = functools.partial(
    pl.kernel,
    out_type=jax.ShapeDtypeStruct((B, LANES), jnp.float32),
    mesh=plsc.VectorSubcoreMesh(
        core_axis_name="c", subcore_axis_name="s", num_cores=NC, num_subcores=NS
    ),
    scratch_types=[
        pltpu.VMEM((CHUNK,), jnp.int32),
        pltpu.VMEM((LANES * HSTRIDE,), jnp.int32),
        pltpu.VMEM((NUM_LABELS,), jnp.int32),
        pltpu.VMEM((CHUNKS_PER_ROW * NUM_LABELS,), jnp.int32),
        pltpu.VMEM((NUM_LABELS,), jnp.int32),
        pltpu.VMEM((LANES,), jnp.float32),
        pltpu.VMEM_SHARED((NS * NUM_LABELS,), jnp.int32),
        pltpu.SemaphoreType.DMA,
        pltpu.SemaphoreType.DMA,
    ],
    compiler_params=pltpu.CompilerParams(needs_layout_passes=False),
)(_size_model_body)


def kernel(masks):
    out = _size_model_sc(masks)
    return out[:, 0]

# --- scband reference (transcript-rebuilt; emitter-appended) ---
"""Pipeline reference for scband-size-model-36172214567077 (READ-ONLY COPY).

The authoritative reference and input builder live on the scoring server;
editing this copy changes nothing except your own understanding.
"""

import jax, jax.numpy as jnp
import numpy as np

NUM_LABELS = 256
B = 8
N = 262144


def setup_inputs(seed: int = 0) -> dict:
    key = jax.random.key(seed)
    masks = jax.random.randint(key, (B, N), 0, NUM_LABELS, dtype=jnp.int32)
    return {"masks": masks}


def reference(masks):
    # torch: _, counts = masks.int().unique(dim=1, return_counts=True)
    # Interpreted as per-row label counts over a fixed label alphabet (histogram binning).
    m = masks.astype(jnp.int32)
    counts = jax.vmap(lambda row: jnp.bincount(row, length=NUM_LABELS))(m)
    # counts = counts[:, 1:]  (drop background label 0)
    counts = counts[:, 1:]
    # md = median(sqrt(counts), dim=1)
    vals = jnp.sqrt(counts.astype(jnp.float32))
    md = jnp.median(vals, axis=1)
    # if isnan(md): md = 0
    md = jnp.where(jnp.isnan(md), 0.0, md)
    # md /= pi**0.5 / 2   (area -> characteristic diameter conversion)
    md = md / (np.pi ** 0.5 / 2.0)
    return md

if __name__ == "__main__":
    import jax
    _d = setup_inputs()
    print(jax.jit(kernel)(*tuple(_d.values())))

</pallas_src>

<mosaic_0001>
#map = affine_map<(d0, d1) -> (0, 0)>
module attributes {stable_mosaic.version = 14 : i64} {
  func.func @_size_model_body(%arg0: i32, %arg1: i32, %arg2: memref<8x262144xi32, #tpu.memory_space<hbm>>, %arg3: memref<8x16xf32, #tpu.memory_space<hbm>>, %arg4: memref<65536xi32, #tpu.memory_space<vmem>>, %arg5: memref<4112xi32, #tpu.memory_space<vmem>>, %arg6: memref<256xi32, #tpu.memory_space<vmem>>, %arg7: memref<1024xi32, #tpu.memory_space<vmem>>, %arg8: memref<256xi32, #tpu.memory_space<vmem>>, %arg9: memref<16xf32, #tpu.memory_space<vmem>>, %arg10: memref<4096xi32, #tpu.memory_space<vmem_shared>>, %arg11: memref<!tpu.dma_semaphore, #tpu.memory_space<semaphore_mem>>, %arg12: memref<!tpu.dma_semaphore, #tpu.memory_space<semaphore_mem>>) attributes {dimension_semantics = [#tpu.dimension_semantics<core_parallel>, #tpu.dimension_semantics<subcore_parallel>], iteration_bounds = array<i64: 2, 16>, scalar_prefetch = 0 : i64, scratch_operands = 9 : i64, tpu.core_type = #tpu.core_type<sc_vector_subcore>, window_params = [{transform_indices = #map}, {transform_indices = #map}]} {
    %mul3A = arith.constant 4 : i32
    %mul3A_0 = arith.muli %arg0, %mul3A : i32
    %jit3A = arith.constant 4 : i32
    %div3A = arith.divsi %arg1, %jit3A : i32
    %sign3A = arith.constant 0 : i32
    %sign3A_1 = arith.cmpi sgt, %arg1, %sign3A : i32
    %sign3A_2 = arith.extui %sign3A_1 : i1 to i32
    %sign3A_3 = arith.constant 0 : i32
    %sign3A_4 = arith.cmpi slt, %arg1, %sign3A_3 : i32
    %sign3A_5 = arith.extui %sign3A_4 : i1 to i32
    %sign3A_6 = arith.subi %sign3A_2, %sign3A_5 : i32
    %sign3A_7 = arith.constant 0 : i32
    %sign3A_8 = arith.cmpi sgt, %jit3A, %sign3A_7 : i32
    %sign3A_9 = arith.extui %sign3A_8 : i1 to i32
    %sign3A_10 = arith.constant 0 : i32
    %sign3A_11 = arith.cmpi slt, %jit3A, %sign3A_10 : i32
    %sign3A_12 = arith.extui %sign3A_11 : i1 to i32
    %sign3A_13 = arith.subi %sign3A_9, %sign3A_12 : i32
    %ne3A = arith.cmpi ne, %sign3A_6, %sign3A_13 : i32
    %rem3A = arith.remsi %arg1, %jit3A : i32
    %ne3A_14 = arith.constant 0 : i32
    %ne3A_15 = arith.cmpi ne, %rem3A, %ne3A_14 : i32
    %and3A = arith.andi %ne3A, %ne3A_15 : i1
    %sub3A = arith.constant 1 : i32
    %sub3A_16 = arith.subi %div3A, %sub3A : i32
    %select_n3A = arith.select %and3A, %sub3A_16, %div3A : i32
    %add3A = arith.addi %mul3A_0, %select_n3A : i32
    %jit3A_17 = arith.constant 4 : i32
    %eq3A = arith.constant 0 : i32
    %eq3A_18 = arith.cmpi eq, %jit3A_17, %eq3A : i32
    %jit3A_19 = arith.constant 1 : i32
    %select_n3A_20 = arith.select %eq3A_18, %jit3A_19, %jit3A_17 : i32
    %rem3A_21 = arith.remsi %arg1, %select_n3A_20 : i32
    %ne3A_22 = arith.constant 0 : i32
    %ne3A_23 = arith.cmpi ne, %rem3A_21, %ne3A_22 : i32
    %lt3A = arith.constant 0 : i32
    %lt3A_24 = arith.cmpi slt, %rem3A_21, %lt3A : i32
    %lt3A_25 = arith.constant 0 : i32
    %lt3A_26 = arith.cmpi slt, %select_n3A_20, %lt3A_25 : i32
    %ne3A_27 = arith.xori %lt3A_24, %lt3A_26 : i1
    %and3A_28 = arith.andi %ne3A_27, %ne3A_23 : i1
    %add3A_29 = arith.addi %rem3A_21, %select_n3A_20 : i32
    %select_n3A_30 = arith.select %and3A_28, %add3A_29, %rem3A_21 : i32
    %mul3A_31 = arith.constant 65536 : i32
    %mul3A_32 = arith.muli %select_n3A_30, %mul3A_31 : i32
    %add3A_33 = arith.constant 0 : i32
    %add3A_34 = arith.addi %mul3A_32, %add3A_33 : i32
    %dma_start3A = arith.constant 0 : i32
    %dma_start3A_35 = tpu.memref_slice %arg4[%dma_start3A] : memref<65536xi32, #tpu.memory_space<vmem>> -> memref<16384xi32, #tpu.memory_space<vmem>>
    %dma_start3A_36 = tpu.memref_slice %arg2[%add3A, %add3A_34] : memref<8x262144xi32, #tpu.memory_space<hbm>> -> memref<1x16384xi32, #tpu.memory_space<hbm>>
    %dma_start3A_37 = tpu.memref_squeeze %dma_start3A_36 : memref<1x16384xi32, #tpu.memory_space<hbm>> -> memref<16384xi32, #tpu.memory_space<hbm>>
    %dma_start3A_38 = arith.constant 0 : i32
    %dma_start3A_39 = tpu.memref_slice %arg4[%dma_start3A_38] : memref<65536xi32, #tpu.memory_space<vmem>> -> memref<16384xi32, #tpu.memory_space<vmem>>
    %dma_start3A_40 = tpu.memref_slice %arg2[%add3A, %add3A_34] : memref<8x262144xi32, #tpu.memory_space<hbm>> -> memref<1x16384xi32, #tpu.memory_space<hbm>>
    %dma_start3A_41 = tpu.memref_squeeze %dma_start3A_40 : memref<1x16384xi32, #tpu.memory_space<hbm>> -> memref<16384xi32, #tpu.memory_space<hbm>>
    tpu.enqueue_dma source(%dma_start3A_41 : memref<16384xi32, #tpu.memory_space<hbm>>) target(%dma_start3A_39 : memref<16384xi32, #tpu.memory_space<vmem>>) target_semaphore(%arg11 : memref<!tpu.dma_semaphore, #tpu.memory_space<semaphore_mem>>)
    %mul3A_42 = arith.constant 65536 : i32
    %mul3A_43 = arith.muli %select_n3A_30, %mul3A_42 : i32
    %add3A_44 = arith.constant 16384 : i32
    %add3A_45 = arith.addi %mul3A_43, %add3A_44 : i32
    %dma_start3A_46 = arith.constant 16384 : i32
    %dma_start3A_47 = tpu.memref_slice %arg4[%dma_start3A_46] : memref<65536xi32, #tpu.memory_space<vmem>> -> memref<16384xi32, #tpu.memory_space<vmem>>
    %dma_start3A_48 = tpu.memref_slice %arg2[%add3A, %add3A_45] : memref<8x262144xi32, #tpu.memory_space<hbm>> -> memref<1x16384xi32, #tpu.memory_space<hbm>>
    %dma_start3A_49 = tpu.memref_squeeze %dma_start3A_48 : memref<1x16384xi32, #tpu.memory_space<hbm>> -> memref<16384xi32, #tpu.memory_space<hbm>>
    %dma_start3A_50 = arith.constant 16384 : i32
    %dma_start3A_51 = tpu.memref_slice %arg4[%dma_start3A_50] : memref<65536xi32, #tpu.memory_space<vmem>> -> memref<16384xi32, #tpu.memory_space<vmem>>
    %dma_start3A_52 = tpu.memref_slice %arg2[%add3A, %add3A_45] : memref<8x262144xi32, #tpu.memory_space<hbm>> -> memref<1x16384xi32, #tpu.memory_space<hbm>>
    %dma_start3A_53 = tpu.memref_squeeze %dma_start3A_52 : memref<1x16384xi32, #tpu.memory_space<hbm>> -> memref<16384xi32, #tpu.memory_space<hbm>>
    tpu.enqueue_dma source(%dma_start3A_53 : memref<16384xi32, #tpu.memory_space<hbm>>) target(%dma_start3A_51 : memref<16384xi32, #tpu.memory_space<vmem>>) target_semaphore(%arg12 : memref<!tpu.dma_semaphore, #tpu.memory_space<semaphore_mem>>)
    %broadcast_in_dim3A = arith.constant 0 : i32
    %broadcast_in_dim3A_54 = vector.broadcast %broadcast_in_dim3A : i32 to vector<16xi32>
    %parallel_loop3A = arith.constant 0 : i32
    %parallel_loop3A_55 = arith.constant 257 : i32
    %parallel_loop3A_56 = arith.constant 1 : i32
    scf.for %parallel_loop3A_137 = %parallel_loop3A to %parallel_loop3A_55 step %parallel_loop3A_56  : i32 {
      %parallel_loop3A_138 = arith.constant 16 : i32
      %parallel_loop3A_139 = arith.muli %parallel_loop3A_137, %parallel_loop3A_138 : i32
      %parallel_loop3A_140 = arith.index_cast %parallel_loop3A_139 : i32 to index
      %parallel_loop3A_141 = tpu.vector_load %arg5[%parallel_loop3A_140] {strides = array<i32>} : memref<4112xi32, #tpu.memory_space<vmem>>, vector<16xi32>,
      tpu.vector_store %arg5[%parallel_loop3A_140], %broadcast_in_dim3A_54 {strides = array<i32>} : memref<4112xi32, #tpu.memory_space<vmem>>, vector<16xi32>,
    } {sc.loop_unroll_factor = 8 : i64, sc.parallel_access}
    %iota3A = tpu.iota {dimensions = array<i32: 0>} : vector<16xi32>
    %mul3A_57 = arith.constant 257 : i32
    %mul3A_58 = vector.broadcast %mul3A_57 : i32 to vector<16xi32>
    %mul3A_59 = arith.muli %iota3A, %mul3A_58 : vector<16xi32>
    %broadcast_in_dim3A_60 = arith.constant 1 : i32
    %broadcast_in_dim3A_61 = vector.broadcast %broadcast_in_dim3A_60 : i32 to vector<16xi32>
    %dma_wait3A = arith.constant 0 : i32
    %dma_wait3A_62 = tpu.memref_slice %arg4[%dma_wait3A] : memref<65536xi32, #tpu.memory_space<vmem>> -> memref<16384xi32, #tpu.memory_space<vmem>>
    %dma_wait3A_63 = tpu.memref_slice %arg2[%add3A, %add3A_34] : memref<8x262144xi32, #tpu.memory_space<hbm>> -> memref<1x16384xi32, #tpu.memory_space<hbm>>
    %dma_wait3A_64 = tpu.memref_squeeze %dma_wait3A_63 : memref<1x16384xi32, #tpu.memory_space<hbm>> -> memref<16384xi32, #tpu.memory_space<hbm>>
    %dma_wait3A_65 = arith.constant 0 : i32
    %dma_wait3A_66 = tpu.memref_slice %arg4[%dma_wait3A_65] : memref<65536xi32, #tpu.memory_space<vmem>> -> memref<16384xi32, #tpu.memory_space<vmem>>
    %dma_wait3A_67 = tpu.memref_slice %arg2[%add3A, %add3A_34] : memref<8x262144xi32, #tpu.memory_space<hbm>> -> memref<1x16384xi32, #tpu.memory_space<hbm>>
    %dma_wait3A_68 = tpu.memref_squeeze %dma_wait3A_67 : memref<1x16384xi32, #tpu.memory_space<hbm>> -> memref<16384xi32, #tpu.memory_space<hbm>>
    tpu.wait_dma2 semaphore(%arg11 : memref<!tpu.dma_semaphore, #tpu.memory_space<semaphore_mem>>) src(%dma_wait3A_68 : memref<16384xi32, #tpu.memory_space<hbm>>) dst(%dma_wait3A_66 : memref<16384xi32, #tpu.memory_space<vmem>>)
    %parallel_loop3A_69 = arith.constant 0 : i32
    %parallel_loop3A_70 = arith.constant 1024 : i32
    %parallel_loop3A_71 = arith.constant 1 : i32
    scf.for %parallel_loop3A_137 = %parallel_loop3A_69 to %parallel_loop3A_70 step %parallel_loop3A_71  : i32 {
      %parallel_loop3A_138 = arith.constant 16 : i32
      %parallel_loop3A_139 = arith.muli %parallel_loop3A_137, %parallel_loop3A_138 : i32
      %parallel_loop3A_140 = arith.constant 0 : i32
      %parallel_loop3A_141 = arith.addi %parallel_loop3A_140, %parallel_loop3A_139 : i32
      %parallel_loop3A_142 = arith.index_cast %parallel_loop3A_141 : i32 to index
      %parallel_loop3A_143 = tpu.vector_load %arg4[%parallel_loop3A_142] {strides = array<i32>} : memref<65536xi32, #tpu.memory_space<vmem>>, vector<16xi32>,
      %parallel_loop3A_144 = arith.addi %mul3A_59, %parallel_loop3A_143 : vector<16xi32>
      tpu.vector_store_idx %arg5[%parallel_loop3A_144], %broadcast_in_dim3A_61 {add = true} : memref<4112xi32, #tpu.memory_space<vmem>>[vector<16xi32>], vector<16xi32>,
    } {sc.loop_unroll_factor = 16 : i64, sc.parallel_access}
    %mul3A_72 = arith.constant 65536 : i32
    %mul3A_73 = arith.muli %select_n3A_30, %mul3A_72 : i32
    %add3A_74 = arith.constant 32768 : i32
    %add3A_75 = arith.addi %mul3A_73, %add3A_74 : i32
    %dma_start3A_76 = arith.constant 0 : i32
    %dma_start3A_77 = tpu.memref_slice %arg4[%dma_start3A_76] : memref<65536xi32, #tpu.memory_space<vmem>> -> memref<16384xi32, #tpu.memory_space<vmem>>
    %dma_start3A_78 = tpu.memref_slice %arg2[%add3A, %add3A_75] : memref<8x262144xi32, #tpu.memory_space<hbm>> -> memref<1x16384xi32, #tpu.memory_space<hbm>>
    %dma_start3A_79 = tpu.memref_squeeze %dma_start3A_78 : memref<1x16384xi32, #tpu.memory_space<hbm>> -> memref<16384xi32, #tpu.memory_space<hbm>>
    %dma_start3A_80 = arith.constant 0 : i32
    %dma_start3A_81 = tpu.memref_slice %arg4[%dma_start3A_80] : memref<65536xi32, #tpu.memory_space<vmem>> -> memref<16384xi32, #tpu.memory_space<vmem>>
    %dma_start3A_82 = tpu.memref_slice %arg2[%add3A, %add3A_75] : memref<8x262144xi32, #tpu.memory_space<hbm>> -> memref<1x16384xi32, #tpu.memory_space<hbm>>
    %dma_start3A_83 = tpu.memref_squeeze %dma_start3A_82 : memref<1x16384xi32, #tpu.memory_space<hbm>> -> memref<16384xi32, #tpu.memory_space<hbm>>
    tpu.enqueue_dma source(%dma_start3A_83 : memref<16384xi32, #tpu.memory_space<hbm>>) target(%dma_start3A_81 : memref<16384xi32, #tpu.memory_space<vmem>>) target_semaphore(%arg11 : memref<!tpu.dma_semaphore, #tpu.memory_space<semaphore_mem>>)
    %dma_wait3A_84 = arith.constant 16384 : i32
    %dma_wait3A_85 = tpu.memref_slice %arg4[%dma_wait3A_84] : memref<65536xi32, #tpu.memory_space<vmem>> -> memref<16384xi32, #tpu.memory_space<vmem>>
    %dma_wait3A_86 = tpu.memref_slice %arg2[%add3A, %add3A_45] : memref<8x262144xi32, #tpu.memory_space<hbm>> -> memref<1x16384xi32, #tpu.memory_space<hbm>>
    %dma_wait3A_87 = tpu.memref_squeeze %dma_wait3A_86 : memref<1x16384xi32, #tpu.memory_space<hbm>> -> memref<16384xi32, #tpu.memory_space<hbm>>
    %dma_wait3A_88 = arith.constant 16384 : i32
    %dma_wait3A_89 = tpu.memref_slice %arg4[%dma_wait3A_88] : memref<65536xi32, #tpu.memory_space<vmem>> -> memref<16384xi32, #tpu.memory_space<vmem>>
    %dma_wait3A_90 = tpu.memref_slice %arg2[%add3A, %add3A_45] : memref<8x262144xi32, #tpu.memory_space<hbm>> -> memref<1x16384xi32, #tpu.memory_space<hbm>>
    %dma_wait3A_91 = tpu.memref_squeeze %dma_wait3A_90 : memref<1x16384xi32, #tpu.memory_space<hbm>> -> memref<16384xi32, #tpu.memory_space<hbm>>
    tpu.wait_dma2 semaphore(%arg12 : memref<!tpu.dma_semaphore, #tpu.memory_space<semaphore_mem>>) src(%dma_wait3A_91 : memref<16384xi32, #tpu.memory_space<hbm>>) dst(%dma_wait3A_89 : memref<16384xi32, #tpu.memory_space<vmem>>)
    %parallel_loop3A_92 = arith.constant 0 : i32
    %parallel_loop3A_93 = arith.constant 1024 : i32
    %parallel_loop3A_94 = arith.constant 1 : i32
    scf.for %parallel_loop3A_137 = %parallel_loop3A_92 to %parallel_loop3A_93 step %parallel_loop3A_94  : i32 {
      %parallel_loop3A_138 = arith.constant 16 : i32
      %parallel_loop3A_139 = arith.muli %parallel_loop3A_137, %parallel_loop3A_138 : i32
      %parallel_loop3A_140 = arith.constant 16384 : i32
      %parallel_loop3A_141 = arith.addi %parallel_loop3A_140, %parallel_loop3A_139 : i32
      %parallel_loop3A_142 = arith.index_cast %parallel_loop3A_141 : i32 to index
      %parallel_loop3A_143 = tpu.vector_load %arg4[%parallel_loop3A_142] {strides = array<i32>} : memref<65536xi32, #tpu.memory_space<vmem>>, vector<16xi32>,
      %parallel_loop3A_144 = arith.addi %mul3A_59, %parallel_loop3A_143 : vector<16xi32>
      tpu.vector_store_idx %arg5[%parallel_loop3A_144], %broadcast_in_dim3A_61 {add = true} : memref<4112xi32, #tpu.memory_space<vmem>>[vector<16xi32>], vector<16xi32>,
    } {sc.loop_unroll_factor = 16 : i64, sc.parallel_access}
    %mul3A_95 = arith.constant 65536 : i32
    %mul3A_96 = arith.muli %select_n3A_30, %mul3A_95 : i32
    %add3A_97 = arith.constant 49152 : i32
    %add3A_98 = arith.addi %mul3A_96, %add3A_97 : i32
    %dma_start3A_99 = arith.constant 16384 : i32
    %dma_start3A_100 = tpu.memref_slice %arg4[%dma_start3A_99] : memref<65536xi32, #tpu.memory_space<vmem>> -> memref<16384xi32, #tpu.memory_space<vmem>>
    %dma_start3A_101 = tpu.memref_slice %arg2[%add3A, %add3A_98] : memref<8x262144xi32, #tpu.memory_space<hbm>> -> memref<1x16384xi32, #tpu.memory_space<hbm>>
    %dma_start3A_102 = tpu.memref_squeeze %dma_start3A_101 : memref<1x16384xi32, #tpu.memory_space<hbm>> -> memref<16384xi32, #tpu.memory_space<hbm>>
    %dma_start3A_103 = arith.constant 16384 : i32
    %dma_start3A_104 = tpu.memref_slice %arg4[%dma_start3A_103] : memref<65536xi32, #tpu.memory_space<vmem>> -> memref<16384xi32, #tpu.memory_space<vmem>>
    %dma_start3A_105 = tpu.memref_slice %arg2[%add3A, %add3A_98] : memref<8x262144xi32, #tpu.memory_space<hbm>> -> memref<1x16384xi32, #tpu.memory_space<hbm>>
    %dma_start3A_106 = tpu.memref_squeeze %dma_start3A_105 : memref<1x16384xi32, #tpu.memory_space<hbm>> -> memref<16384xi32, #tpu.memory_space<hbm>>
    tpu.enqueue_dma source(%dma_start3A_106 : memref<16384xi32, #tpu.memory_space<hbm>>) target(%dma_start3A_104 : memref<16384xi32, #tpu.memory_space<vmem>>) target_semaphore(%arg12 : memref<!tpu.dma_semaphore, #tpu.memory_space<semaphore_mem>>)
    %dma_wait3A_107 = arith.constant 0 : i32
    %dma_wait3A_108 = tpu.memref_slice %arg4[%dma_wait3A_107] : memref<65536xi32, #tpu.memory_space<vmem>> -> memref<16384xi32, #tpu.memory_space<vmem>>
    %dma_wait3A_109 = tpu.memref_slice %arg2[%add3A, %add3A_75] : memref<8x262144xi32, #tpu.memory_space<hbm>> -> memref<1x16384xi32, #tpu.memory_space<hbm>>
    %dma_wait3A_110 = tpu.memref_squeeze %dma_wait3A_109 : memref<1x16384xi32, #tpu.memory_space<hbm>> -> memref<16384xi32, #tpu.memory_space<hbm>>
    %dma_wait3A_111 = arith.constant 0 : i32
    %dma_wait3A_112 = tpu.memref_slice %arg4[%dma_wait3A_111] : memref<65536xi32, #tpu.memory_space<vmem>> -> memref<16384xi32, #tpu.memory_space<vmem>>
    %dma_wait3A_113 = tpu.memref_slice %arg2[%add3A, %add3A_75] : memref<8x262144xi32, #tpu.memory_space<hbm>> -> memref<1x16384xi32, #tpu.memory_space<hbm>>
    %dma_wait3A_114 = tpu.memref_squeeze %dma_wait3A_113 : memref<1x16384xi32, #tpu.memory_space<hbm>> -> memref<16384xi32, #tpu.memory_space<hbm>>
    tpu.wait_dma2 semaphore(%arg11 : memref<!tpu.dma_semaphore, #tpu.memory_space<semaphore_mem>>) src(%dma_wait3A_114 : memref<16384xi32, #tpu.memory_space<hbm>>) dst(%dma_wait3A_112 : memref<16384xi32, #tpu.memory_space<vmem>>)
    %parallel_loop3A_115 = arith.constant 0 : i32
    %parallel_loop3A_116 = arith.constant 1024 : i32
    %parallel_loop3A_117 = arith.constant 1 : i32
    scf.for %parallel_loop3A_137 = %parallel_loop3A_115 to %parallel_loop3A_116 step %parallel_loop3A_117  : i32 {
      %parallel_loop3A_138 = arith.constant 16 : i32
      %parallel_loop3A_139 = arith.muli %parallel_loop3A_137, %parallel_loop3A_138 : i32
      %parallel_loop3A_140 = arith.constant 0 : i32
      %parallel_loop3A_141 = arith.addi %parallel_loop3A_140, %parallel_loop3A_139 : i32
      %parallel_loop3A_142 = arith.index_cast %parallel_loop3A_141 : i32 to index
      %parallel_loop3A_143 = tpu.vector_load %arg4[%parallel_loop3A_142] {strides = array<i32>} : memref<65536xi32, #tpu.memory_space<vmem>>, vector<16xi32>,
      %parallel_loop3A_144 = arith.addi %mul3A_59, %parallel_loop3A_143 : vector<16xi32>
      tpu.vector_store_idx %arg5[%parallel_loop3A_144], %broadcast_in_dim3A_61 {add = true} : memref<4112xi32, #tpu.memory_space<vmem>>[vector<16xi32>], vector<16xi32>,
    } {sc.loop_unroll_factor = 16 : i64, sc.parallel_access}
    %dma_wait3A_118 = arith.constant 16384 : i32
    %dma_wait3A_119 = tpu.memref_slice %arg4[%dma_wait3A_118] : memref<65536xi32, #tpu.memory_space<vmem>> -> memref<16384xi32, #tpu.memory_space<vmem>>
    %dma_wait3A_120 = tpu.memref_slice %arg2[%add3A, %add3A_98] : memref<8x262144xi32, #tpu.memory_space<hbm>> -> memref<1x16384xi32, #tpu.memory_space<hbm>>
    %dma_wait3A_121 = tpu.memref_squeeze %dma_wait3A_120 : memref<1x16384xi32, #tpu.memory_space<hbm>> -> memref<16384xi32, #tpu.memory_space<hbm>>
    %dma_wait3A_122 = arith.constant 16384 : i32
    %dma_wait3A_123 = tpu.memref_slice %arg4[%dma_wait3A_122] : memref<65536xi32, #tpu.memory_space<vmem>> -> memref<16384xi32, #tpu.memory_space<vmem>>
    %dma_wait3A_124 = tpu.memref_slice %arg2[%add3A, %add3A_98] : memref<8x262144xi32, #tpu.memory_space<hbm>> -> memref<1x16384xi32, #tpu.memory_space<hbm>>
    %dma_wait3A_125 = tpu.memref_squeeze %dma_wait3A_124 : memref<1x16384xi32, #tpu.memory_space<hbm>> -> memref<16384xi32, #tpu.memory_space<hbm>>
    tpu.wait_dma2 semaphore(%arg12 : memref<!tpu.dma_semaphore, #tpu.memory_space<semaphore_mem>>) src(%dma_wait3A_125 : memref<16384xi32, #tpu.memory_space<hbm>>) dst(%dma_wait3A_123 : memref<16384xi32, #tpu.memory_space<vmem>>)
    %parallel_loop3A_126 = arith.constant 0 : i32
    %parallel_loop3A_127 = arith.constant 1024 : i32
    %parallel_loop3A_128 = arith.constant 1 : i32
    scf.for %parallel_loop3A_137 = %parallel_loop3A_126 to %parallel_loop3A_127 step %parallel_loop3A_128  : i32 {
      %parallel_loop3A_138 = arith.constant 16 : i32
      %parallel_loop3A_139 = arith.muli %parallel_loop3A_137, %parallel_loop3A_138 : i32
      %parallel_loop3A_140 = arith.constant 16384 : i32
      %parallel_loop3A_141 = arith.addi %parallel_loop3A_140, %parallel_loop3A_139 : i32
      %parallel_loop3A_142 = arith.index_cast %parallel_loop3A_141 : i32 to index
      %parallel_loop3A_143 = tpu.vector_load %arg4[%parallel_loop3A_142] {strides = array<i32>} : memref<65536xi32, #tpu.memory_space<vmem>>, vector<16xi32>,
      %parallel_loop3A_144 = arith.addi %mul3A_59, %parallel_loop3A_143 : vector<16xi32>
      tpu.vector_store_idx %arg5[%parallel_loop3A_144], %broadcast_in_dim3A_61 {add = true} : memref<4112xi32, #tpu.memory_space<vmem>>[vector<16xi32>], vector<16xi32>,
    } {sc.loop_unroll_factor = 16 : i64, sc.parallel_access}
    %parallel_loop3A_129 = arith.constant 0 : i32
    %parallel_loop3A_130 = arith.constant 16 : i32
    %parallel_loop3A_131 = arith.constant 1 : i32
    scf.for %parallel_loop3A_137 = %parallel_loop3A_129 to %parallel_loop3A_130 step %parallel_loop3A_131  : i32 {
      %parallel_loop3A_138 = arith.constant 16 : i32
      %parallel_loop3A_139 = arith.muli %parallel_loop3A_137, %parallel_loop3A_138 : i32
      %parallel_loop3A_140 = arith.index_cast %parallel_loop3A_139 : i32 to index
      %parallel_loop3A_141 = tpu.vector_load %arg5[%parallel_loop3A_140] {strides = array<i32>} : memref<4112xi32, #tpu.memory_space<vmem>>, vector<16xi32>,
      %parallel_loop3A_142 = arith.constant 16 : i32
      %parallel_loop3A_143 = arith.muli %parallel_loop3A_137, %parallel_loop3A_142 : i32
      %parallel_loop3A_144 = arith.constant 257 : i32
      %parallel_loop3A_145 = arith.addi %parallel_loop3A_144, %parallel_loop3A_143 : i32
      %parallel_loop3A_146 = arith.index_cast %parallel_loop3A_145 : i32 to index
      %parallel_loop3A_147 = tpu.vector_load %arg5[%parallel_loop3A_146] {strides = array<i32>} : memref<4112xi32, #tpu.memory_space<vmem>>, vector<16xi32>,
      %parallel_loop3A_148 = arith.addi %parallel_loop3A_141, %parallel_loop3A_147 : vector<16xi32>
      %parallel_loop3A_149 = arith.constant 16 : i32
      %parallel_loop3A_150 = arith.muli %parallel_loop3A_137, %parallel_loop3A_149 : i32
      %parallel_loop3A_151 = arith.constant 514 : i32
      %parallel_loop3A_152 = arith.addi %parallel_loop3A_151, %parallel_loop3A_150 : i32
      %parallel_loop3A_153 = arith.index_cast %parallel_loop3A_152 : i32 to index
      %parallel_loop3A_154 = tpu.vector_load %arg5[%parallel_loop3A_153] {strides = array<i32>} : memref<4112xi32, #tpu.memory_space<vmem>>, vector<16xi32>,
      %parallel_loop3A_155 = arith.addi %parallel_loop3A_148, %parallel_loop3A_154 : vector<16xi32>
      %parallel_loop3A_156 = arith.constant 16 : i32
      %parallel_loop3A_157 = arith.muli %parallel_loop3A_137, %parallel_loop3A_156 : i32
      %parallel_loop3A_158 = arith.constant 771 : i32
      %parallel_loop3A_159 = arith.addi %parallel_loop3A_158, %parallel_loop3A_157 : i32
      %parallel_loop3A_160 = arith.index_cast %parallel_loop3A_159 : i32 to index
      %parallel_loop3A_161 = tpu.vector_load %arg5[%parallel_loop3A_160] {strides = array<i32>} : memref<4112xi32, #tpu.memory_space<vmem>>, vector<16xi32>,
      %parallel_loop3A_162 = arith.addi %parallel_loop3A_155, %parallel_loop3A_161 : vector<16xi32>
      %parallel_loop3A_163 = arith.constant 16 : i32
      %parallel_loop3A_164 = arith.muli %parallel_loop3A_137, %parallel_loop3A_163 : i32
      %parallel_loop3A_165 = arith.constant 1028 : i32
      %parallel_loop3A_166 = arith.addi %parallel_loop3A_165, %parallel_loop3A_164 : i32
      %parallel_loop3A_167 = arith.index_cast %parallel_loop3A_166 : i32 to index
      %parallel_loop3A_168 = tpu.vector_load %arg5[%parallel_loop3A_167] {strides = array<i32>} : memref<4112xi32, #tpu.memory_space<vmem>>, vector<16xi32>,
      %parallel_loop3A_169 = arith.addi %parallel_loop3A_162, %parallel_loop3A_168 : vector<16xi32>
      %parallel_loop3A_170 = arith.constant 16 : i32
      %parallel_loop3A_171 = arith.muli %parallel_loop3A_137, %parallel_loop3A_170 : i32
      %parallel_loop3A_172 = arith.constant 1285 : i32
      %parallel_loop3A_173 = arith.addi %parallel_loop3A_172, %parallel_loop3A_171 : i32
      %parallel_loop3A_174 = arith.index_cast %parallel_loop3A_173 : i32 to index
      %parallel_loop3A_175 = tpu.vector_load %arg5[%parallel_loop3A_174] {strides = array<i32>} : memref<4112xi32, #tpu.memory_space<vmem>>, vector<16xi32>,
      %parallel_loop3A_176 = arith.addi %parallel_loop3A_169, %parallel_loop3A_175 : vector<16xi32>
      %parallel_loop3A_177 = arith.constant 16 : i32
      %parallel_loop3A_178 = arith.muli %parallel_loop3A_137, %parallel_loop3A_177 : i32
      %parallel_loop3A_179 = arith.constant 1542 : i32
      %parallel_loop3A_180 = arith.addi %parallel_loop3A_179, %parallel_loop3A_178 : i32
      %parallel_loop3A_181 = arith.index_cast %parallel_loop3A_180 : i32 to index
      %parallel_loop3A_182 = tpu.vector_load %arg5[%parallel_loop3A_181] {strides = array<i32>} : memref<4112xi32, #tpu.memory_space<vmem>>, vector<16xi32>,
      %parallel_loop3A_183 = arith.addi %parallel_loop3A_176, %parallel_loop3A_182 : vector<16xi32>
      %parallel_loop3A_184 = arith.constant 16 : i32
      %parallel_loop3A_185 = arith.muli %parallel_loop3A_137, %parallel_loop3A_184 : i32
      %parallel_loop3A_186 = arith.constant 1799 : i32
      %parallel_loop3A_187 = arith.addi %parallel_loop3A_186, %parallel_loop3A_185 : i32
      %parallel_loop3A_188 = arith.index_cast %parallel_loop3A_187 : i32 to index
      %parallel_loop3A_189 = tpu.vector_load %arg5[%parallel_loop3A_188] {strides = array<i32>} : memref<4112xi32, #tpu.memory_space<vmem>>, vector<16xi32>,
      %parallel_loop3A_190 = arith.addi %parallel_loop3A_183, %parallel_loop3A_189 : vector<16xi32>
      %parallel_loop3A_191 = arith.constant 16 : i32
      %parallel_loop3A_192 = arith.muli %parallel_loop3A_137, %parallel_loop3A_191 : i32
      %parallel_loop3A_193 = arith.constant 2056 : i32
      %parallel_loop3A_194 = arith.addi %parallel_loop3A_193, %parallel_loop3A_192 : i32
      %parallel_loop3A_195 = arith.index_cast %parallel_loop3A_194 : i32 to index
      %parallel_loop3A_196 = tpu.vector_load %arg5[%parallel_loop3A_195] {strides = array<i32>} : memref<4112xi32, #tpu.memory_space<vmem>>, vector<16xi32>,
      %parallel_loop3A_197 = arith.addi %parallel_loop3A_190, %parallel_loop3A_196 : vector<16xi32>
      %parallel_loop3A_198 = arith.constant 16 : i32
      %parallel_loop3A_199 = arith.muli %parallel_loop3A_137, %parallel_loop3A_198 : i32
      %parallel_loop3A_200 = arith.constant 2313 : i32
      %parallel_loop3A_201 = arith.addi %parallel_loop3A_200, %parallel_loop3A_199 : i32
      %parallel_loop3A_202 = arith.index_cast %parallel_loop3A_201 : i32 to index
      %parallel_loop3A_203 = tpu.vector_load %arg5[%parallel_loop3A_202] {strides = array<i32>} : memref<4112xi32, #tpu.memory_space<vmem>>, vector<16xi32>,
      %parallel_loop3A_204 = arith.addi %parallel_loop3A_197, %parallel_loop3A_203 : vector<16xi32>
      %parallel_loop3A_205 = arith.constant 16 : i32
      %parallel_loop3A_206 = arith.muli %parallel_loop3A_137, %parallel_loop3A_205 : i32
      %parallel_loop3A_207 = arith.constant 2570 : i32
      %parallel_loop3A_208 = arith.addi %parallel_loop3A_207, %parallel_loop3A_206 : i32
      %parallel_loop3A_209 = arith.index_cast %parallel_loop3A_208 : i32 to index
      %parallel_loop3A_210 = tpu.vector_load %arg5[%parallel_loop3A_209] {strides = array<i32>} : memref<4112xi32, #tpu.memory_space<vmem>>, vector<16xi32>,
      %parallel_loop3A_211 = arith.addi %parallel_loop3A_204, %parallel_loop3A_210 : vector<16xi32>
      %parallel_loop3A_212 = arith.constant 16 : i32
      %parallel_loop3A_213 = arith.muli %parallel_loop3A_137, %parallel_loop3A_212 : i32
      %parallel_loop3A_214 = arith.constant 2827 : i32
      %parallel_loop3A_215 = arith.addi %parallel_loop3A_214, %parallel_loop3A_213 : i32
      %parallel_loop3A_216 = arith.index_cast %parallel_loop3A_215 : i32 to index
      %parallel_loop3A_217 = tpu.vector_load %arg5[%parallel_loop3A_216] {strides = array<i32>} : memref<4112xi32, #tpu.memory_space<vmem>>, vector<16xi32>,
      %parallel_loop3A_218 = arith.addi %parallel_loop3A_211, %parallel_loop3A_217 : vector<16xi32>
      %parallel_loop3A_219 = arith.constant 16 : i32
      %parallel_loop3A_220 = arith.muli %parallel_loop3A_137, %parallel_loop3A_219 : i32
      %parallel_loop3A_221 = arith.constant 3084 : i32
      %parallel_loop3A_222 = arith.addi %parallel_loop3A_221, %parallel_loop3A_220 : i32
      %parallel_loop3A_223 = arith.index_cast %parallel_loop3A_222 : i32 to index
      %parallel_loop3A_224 = tpu.vector_load %arg5[%parallel_loop3A_223] {strides = array<i32>} : memref<4112xi32, #tpu.memory_space<vmem>>, vector<16xi32>,
      %parallel_loop3A_225 = arith.addi %parallel_loop3A_218, %parallel_loop3A_224 : vector<16xi32>
      %parallel_loop3A_226 = arith.constant 16 : i32
      %parallel_loop3A_227 = arith.muli %parallel_loop3A_137, %parallel_loop3A_226 : i32
      %parallel_loop3A_228 = arith.constant 3341 : i32
      %parallel_loop3A_229 = arith.addi %parallel_loop3A_228, %parallel_loop3A_227 : i32
      %parallel_loop3A_230 = arith.index_cast %parallel_loop3A_229 : i32 to index
      %parallel_loop3A_231 = tpu.vector_load %arg5[%parallel_loop3A_230] {strides = array<i32>} : memref<4112xi32, #tpu.memory_space<vmem>>, vector<16xi32>,
      %parallel_loop3A_232 = arith.addi %parallel_loop3A_225, %parallel_loop3A_231 : vector<16xi32>
      %parallel_loop3A_233 = arith.constant 16 : i32
      %parallel_loop3A_234 = arith.muli %parallel_loop3A_137, %parallel_loop3A_233 : i32
      %parallel_loop3A_235 = arith.constant 3598 : i32
      %parallel_loop3A_236 = arith.addi %parallel_loop3A_235, %parallel_loop3A_234 : i32
      %parallel_loop3A_237 = arith.index_cast %parallel_loop3A_236 : i32 to index
      %parallel_loop3A_238 = tpu.vector_load %arg5[%parallel_loop3A_237] {strides = array<i32>} : memref<4112xi32, #tpu.memory_space<vmem>>, vector<16xi32>,
      %parallel_loop3A_239 = arith.addi %parallel_loop3A_232, %parallel_loop3A_238 : vector<16xi32>
      %parallel_loop3A_240 = arith.constant 16 : i32
      %parallel_loop3A_241 = arith.muli %parallel_loop3A_137, %parallel_loop3A_240 : i32
      %parallel_loop3A_242 = arith.constant 3855 : i32
      %parallel_loop3A_243 = arith.addi %parallel_loop3A_242, %parallel_loop3A_241 : i32
      %parallel_loop3A_244 = arith.index_cast %parallel_loop3A_243 : i32 to index
      %parallel_loop3A_245 = tpu.vector_load %arg5[%parallel_loop3A_244] {strides = array<i32>} : memref<4112xi32, #tpu.memory_space<vmem>>, vector<16xi32>,
      %parallel_loop3A_246 = arith.addi %parallel_loop3A_239, %parallel_loop3A_245 : vector<16xi32>
      %parallel_loop3A_247 = arith.constant 16 : i32
      %parallel_loop3A_248 = arith.muli %parallel_loop3A_137, %parallel_loop3A_247 : i32
      %parallel_loop3A_249 = arith.index_cast %parallel_loop3A_248 : i32 to index
      %parallel_loop3A_250 = tpu.vector_load %arg6[%parallel_loop3A_249] {strides = array<i32>} : memref<256xi32, #tpu.memory_space<vmem>>, vector<16xi32>,
      tpu.vector_store %arg6[%parallel_loop3A_249], %parallel_loop3A_246 {strides = array<i32>} : memref<256xi32, #tpu.memory_space<vmem>>, vector<16xi32>,
    } {sc.loop_unroll_factor = 4 : i64, sc.parallel_access}
    %mul3A_132 = arith.constant 256 : i32
    %mul3A_133 = arith.muli %arg1, %mul3A_132 : i32
    "tpu.region"() ({
      %run_scoped3A = tpu.sem_alloc : memref<!tpu.dma_semaphore, #tpu.memory_space<semaphore_mem>>
      %dma_start3A_137 = tpu.memref_slice %arg10[%mul3A_133] : memref<4096xi32, #tpu.memory_space<vmem_shared>> -> memref<256xi32, #tpu.memory_space<vmem_shared>>
      %dma_start3A_138 = tpu.memref_slice %arg10[%mul3A_133] : memref<4096xi32, #tpu.memory_space<vmem_shared>> -> memref<256xi32, #tpu.memory_space<vmem_shared>>
      tpu.enqueue_dma source(%arg6 : memref<256xi32, #tpu.memory_space<vmem>>) target(%dma_start3A_138 : memref<256xi32, #tpu.memory_space<vmem_shared>>) target_semaphore(%run_scoped3A : memref<!tpu.dma_semaphore, #tpu.memory_space<semaphore_mem>>)
      %dma_wait3A_139 = tpu.memref_slice %arg10[%mul3A_133] : memref<4096xi32, #tpu.memory_space<vmem_shared>> -> memref<256xi32, #tpu.memory_space<vmem_shared>>
      %dma_wait3A_140 = tpu.memref_slice %arg10[%mul3A_133] : memref<4096xi32, #tpu.memory_space<vmem_shared>> -> memref<256xi32, #tpu.memory_space<vmem_shared>>
      tpu.wait_dma2 semaphore(%run_scoped3A : memref<!tpu.dma_semaphore, #tpu.memory_space<semaphore_mem>>) src(%arg6 : memref<256xi32, #tpu.memory_space<vmem>>) dst(%dma_wait3A_140 : memref<256xi32, #tpu.memory_space<vmem_shared>>)
      tpu.yield
    }) : () -> ()
    %barrier3A = arith.constant 0 : index
    tpu.barrier barrier_id(%barrier3A)
    %eq3A_134 = arith.constant 0 : i32
    %eq3A_135 = arith.cmpi eq, %select_n3A_30, %eq3A_134 : i32
    %convert_element_type3A = arith.extui %eq3A_135 : i1 to i32
    %cond3A = arith.constant 0 : i32
    %cond3A_136 = arith.cmpi ne, %convert_element_type3A, %cond3A : i32
    scf.if %cond3A_136 {
      %mul3A_137 = arith.constant 256 : i32
      %mul3A_138 = arith.muli %arg1, %mul3A_137 : i32
      "tpu.region"() ({
        %run_scoped3A = tpu.sem_alloc : memref<!tpu.dma_semaphore, #tpu.memory_space<semaphore_mem>>
        %dma_start3A_199 = tpu.memref_slice %arg10[%mul3A_138] : memref<4096xi32, #tpu.memory_space<vmem_shared>> -> memref<1024xi32, #tpu.memory_space<vmem_shared>>
        %dma_start3A_200 = tpu.memref_slice %arg10[%mul3A_138] : memref<4096xi32, #tpu.memory_space<vmem_shared>> -> memref<1024xi32, #tpu.memory_space<vmem_shared>>
        tpu.enqueue_dma source(%dma_start3A_200 : memref<1024xi32, #tpu.memory_space<vmem_shared>>) target(%arg7 : memref<1024xi32, #tpu.memory_space<vmem>>) target_semaphore(%run_scoped3A : memref<!tpu.dma_semaphore, #tpu.memory_space<semaphore_mem>>)
        %dma_wait3A_201 = tpu.memref_slice %arg10[%mul3A_138] : memref<4096xi32, #tpu.memory_space<vmem_shared>> -> memref<1024xi32, #tpu.memory_space<vmem_shared>>
        %dma_wait3A_202 = tpu.memref_slice %arg10[%mul3A_138] : memref<4096xi32, #tpu.memory_space<vmem_shared>> -> memref<1024xi32, #tpu.memory_space<vmem_shared>>
        tpu.wait_dma2 semaphore(%run_scoped3A : memref<!tpu.dma_semaphore, #tpu.memory_space<semaphore_mem>>) src(%dma_wait3A_202 : memref<1024xi32, #tpu.memory_space<vmem_shared>>) dst(%arg7 : memref<1024xi32, #tpu.memory_space<vmem>>)
        tpu.yield
      }) : () -> ()
      %iota3A_139 = tpu.iota {dimensions = array<i32: 0>} : vector<16xi32>
      %broadcast_in_dim3A_140 = arith.constant 1048576 : i32
      %broadcast_in_dim3A_141 = vector.broadcast %broadcast_in_dim3A_140 : i32 to vector<16xi32>
      %parallel_loop3A_142 = arith.constant 0 : i32
      %parallel_loop3A_143 = arith.constant 16 : i32
      %parallel_loop3A_144 = arith.constant 1 : i32
      scf.for %parallel_loop3A_199 = %parallel_loop3A_142 to %parallel_loop3A_143 step %parallel_loop3A_144  : i32 {
        %parallel_loop3A_200 = arith.constant 16 : i32
        %parallel_loop3A_201 = arith.muli %parallel_loop3A_199, %parallel_loop3A_200 : i32
        %parallel_loop3A_202 = arith.index_cast %parallel_loop3A_201 : i32 to index
        %parallel_loop3A_203 = tpu.vector_load %arg7[%parallel_loop3A_202] {strides = array<i32>} : memref<1024xi32, #tpu.memory_space<vmem>>, vector<16xi32>,
        %parallel_loop3A_204 = arith.constant 16 : i32
        %parallel_loop3A_205 = arith.muli %parallel_loop3A_199, %parallel_loop3A_204 : i32
        %parallel_loop3A_206 = arith.constant 256 : i32
        %parallel_loop3A_207 = arith.addi %parallel_loop3A_206, %parallel_loop3A_205 : i32
        %parallel_loop3A_208 = arith.index_cast %parallel_loop3A_207 : i32 to index
        %parallel_loop3A_209 = tpu.vector_load %arg7[%parallel_loop3A_208] {strides = array<i32>} : memref<1024xi32, #tpu.memory_space<vmem>>, vector<16xi32>,
        %parallel_loop3A_210 = arith.addi %parallel_loop3A_203, %parallel_loop3A_209 : vector<16xi32>
        %parallel_loop3A_211 = arith.constant 16 : i32
        %parallel_loop3A_212 = arith.muli %parallel_loop3A_199, %parallel_loop3A_211 : i32
        %parallel_loop3A_213 = arith.constant 512 : i32
        %parallel_loop3A_214 = arith.addi %parallel_loop3A_213, %parallel_loop3A_212 : i32
        %parallel_loop3A_215 = arith.index_cast %parallel_loop3A_214 : i32 to index
        %parallel_loop3A_216 = tpu.vector_load %arg7[%parallel_loop3A_215] {strides = array<i32>} : memref<1024xi32, #tpu.memory_space<vmem>>, vector<16xi32>,
        %parallel_loop3A_217 = arith.addi %parallel_loop3A_210, %parallel_loop3A_216 : vector<16xi32>
        %parallel_loop3A_218 = arith.constant 16 : i32
        %parallel_loop3A_219 = arith.muli %parallel_loop3A_199, %parallel_loop3A_218 : i32
        %parallel_loop3A_220 = arith.constant 768 : i32
        %parallel_loop3A_221 = arith.addi %parallel_loop3A_220, %parallel_loop3A_219 : i32
        %parallel_loop3A_222 = arith.index_cast %parallel_loop3A_221 : i32 to index
        %parallel_loop3A_223 = tpu.vector_load %arg7[%parallel_loop3A_222] {strides = array<i32>} : memref<1024xi32, #tpu.memory_space<vmem>>, vector<16xi32>,
        %parallel_loop3A_224 = arith.addi %parallel_loop3A_217, %parallel_loop3A_223 : vector<16xi32>
        %parallel_loop3A_225 = arith.constant 16 : i32
        %parallel_loop3A_226 = arith.muli %parallel_loop3A_199, %parallel_loop3A_225 : i32
        %parallel_loop3A_227 = vector.broadcast %parallel_loop3A_226 : i32 to vector<16xi32>
        %parallel_loop3A_228 = arith.addi %parallel_loop3A_227, %iota3A_139 : vector<16xi32>
        %parallel_loop3A_229 = arith.constant 0 : i32
        %parallel_loop3A_230 = vector.broadcast %parallel_loop3A_229 : i32 to vector<16xi32>
        %parallel_loop3A_231 = arith.cmpi eq, %parallel_loop3A_228, %parallel_loop3A_230 : vector<16xi32>
        %parallel_loop3A_232 = arith.select %parallel_loop3A_231, %broadcast_in_dim3A_141, %parallel_loop3A_224 : vector<16xi1>, vector<16xi32>
        %parallel_loop3A_233 = arith.constant 16 : i32
        %parallel_loop3A_234 = arith.muli %parallel_loop3A_199, %parallel_loop3A_233 : i32
        %parallel_loop3A_235 = arith.index_cast %parallel_loop3A_234 : i32 to index
        %parallel_loop3A_236 = tpu.vector_load %arg8[%parallel_loop3A_235] {strides = array<i32>} : memref<256xi32, #tpu.memory_space<vmem>>, vector<16xi32>,
        tpu.vector_store %arg8[%parallel_loop3A_235], %parallel_loop3A_232 {strides = array<i32>} : memref<256xi32, #tpu.memory_space<vmem>>, vector<16xi32>,
      } {sc.loop_unroll_factor = 4 : i64, sc.parallel_access}
      %broadcast_in_dim3A_145 = arith.constant 0 : i32
      %broadcast_in_dim3A_146 = vector.broadcast %broadcast_in_dim3A_145 : i32 to vector<16xi32>
      %broadcast_in_dim3A_147 = arith.constant 2048 : i32
      %broadcast_in_dim3A_148 = vector.broadcast %broadcast_in_dim3A_147 : i32 to vector<16xi32>
      %scan3A = arith.constant 0 : i32
      %scan3A_149 = arith.constant 12 : i32
      %scan3A_150 = arith.addi %scan3A, %scan3A_149 : i32
      %scan3A_151 = arith.constant 1 : i32
      %scan3A_152:2 = scf.for %scan3A_199 = %scan3A to %scan3A_150 step %scan3A_151 iter_args(%scan3A_200 = %broadcast_in_dim3A_146, %scan3A_201 = %broadcast_in_dim3A_148) -> (vector<16xi32>, vector<16xi32>)  : i32 {
        %add3A_202 = arith.addi %scan3A_200, %scan3A_201 : vector<16xi32>
        %shift_right_arithmetic3A_203 = arith.constant 1 : i32
        %shift_right_arithmetic3A_204 = vector.broadcast %shift_right_arithmetic3A_203 : i32 to vector<16xi32>
        %shift_right_arithmetic3A_205 = arith.shrsi %add3A_202, %shift_right_arithmetic3A_204 : vector<16xi32>
        %broadcast_in_dim3A_206 = arith.constant 0 : i32
        %broadcast_in_dim3A_207 = vector.broadcast %broadcast_in_dim3A_206 : i32 to vector<16xi32>
        %scan3A_208 = arith.constant 0 : i32
        %scan3A_209 = arith.constant 16 : i32
        %scan3A_210 = arith.addi %scan3A_208, %scan3A_209 : i32
        %scan3A_211 = arith.constant 1 : i32
        %scan3A_212 = scf.for %scan3A_221 = %scan3A_208 to %scan3A_210 step %scan3A_211 iter_args(%scan3A_222 = %broadcast_in_dim3A_207) -> (vector<16xi32>)  : i32 {
          %mul3A_223 = arith.constant 16 : i32
          %mul3A_224 = arith.muli %scan3A_221, %mul3A_223 : i32
          %get3A = arith.index_cast %mul3A_224 : i32 to index
          %get3A_225 = tpu.vector_load %arg8[%get3A] {strides = array<i32>} : memref<256xi32, #tpu.memory_space<vmem>>, vector<16xi32>,
          %le3A = arith.cmpi sle, %get3A_225, %shift_right_arithmetic3A_205 : vector<16xi32>
          %all_reduce_population_count3A = tpu.all_reduce %le3A {dim = 0 : i64, kind = #tpu.reduction_kind<sum>} : vector<16xi1> -> vector<16xi32>
          %add3A_226 = arith.addi %scan3A_222, %all_reduce_population_count3A : vector<16xi32>
          scf.yield %add3A_226 : vector<16xi32>
        }
        %scan3A_213 = arith.constant 16 : i32
        %ge3A = arith.constant 128 : i32
        %ge3A_214 = vector.broadcast %ge3A : i32 to vector<16xi32>
        %ge3A_215 = arith.cmpi sge, %scan3A_212, %ge3A_214 : vector<16xi32>
        %add3A_216 = arith.constant 1 : i32
        %add3A_217 = vector.broadcast %add3A_216 : i32 to vector<16xi32>
        %add3A_218 = arith.addi %shift_right_arithmetic3A_205, %add3A_217 : vector<16xi32>
        %select_n3A_219 = arith.select %ge3A_215, %scan3A_200, %add3A_218 : vector<16xi1>, vector<16xi32>
        %select_n3A_220 = arith.select %ge3A_215, %shift_right_arithmetic3A_205, %scan3A_201 : vector<16xi1>, vector<16xi32>
        scf.yield %select_n3A_219, %select_n3A_220 : vector<16xi32>, vector<16xi32>
      }
      %scan3A_153 = arith.constant 12 : i32
      %convert_element_type3A_154 = arith.sitofp %scan3A_152#0 : vector<16xi32> to vector<16xf32>
      %broadcast_in_dim3A_155 = arith.constant 1597463007 : i32
      %broadcast_in_dim3A_156 = vector.broadcast %broadcast_in_dim3A_155 : i32 to vector<16xi32>
      %bitcast3A = vector.bitcast %convert_element_type3A_154 : vector<16xf32> to vector<16xi32>
      %shift_right_arithmetic3A = arith.constant 1 : i32
      %shift_right_arithmetic3A_157 = vector.broadcast %shift_right_arithmetic3A : i32 to vector<16xi32>
      %shift_right_arithmetic3A_158 = arith.shrsi %bitcast3A, %shift_right_arithmetic3A_157 : vector<16xi32>
      %sub3A_159 = arith.subi %broadcast_in_dim3A_156, %shift_right_arithmetic3A_158 : vector<16xi32>
      %bitcast3A_160 = vector.bitcast %sub3A_159 : vector<16xi32> to vector<16xf32>
      %mul3A_161 = arith.constant 5.000000e-01 : f32
      %mul3A_162 = vector.broadcast %mul3A_161 : f32 to vector<16xf32>
      %mul3A_163 = arith.mulf %mul3A_162, %convert_element_type3A_154 : vector<16xf32>
      %mul3A_164 = arith.mulf %mul3A_163, %bitcast3A_160 : vector<16xf32>
      %mul3A_165 = arith.mulf %mul3A_164, %bitcast3A_160 : vector<16xf32>
      %sub3A_166 = arith.constant 1.500000e+00 : f32
      %sub3A_167 = vector.broadcast %sub3A_166 : f32 to vector<16xf32>
      %sub3A_168 = arith.subf %sub3A_167, %mul3A_165 : vector<16xf32>
      %mul3A_169 = arith.mulf %bitcast3A_160, %sub3A_168 : vector<16xf32>
      %mul3A_170 = arith.constant 5.000000e-01 : f32
      %mul3A_171 = vector.broadcast %mul3A_170 : f32 to vector<16xf32>
      %mul3A_172 = arith.mulf %mul3A_171, %convert_element_type3A_154 : vector<16xf32>
      %mul3A_173 = arith.mulf %mul3A_172, %mul3A_169 : vector<16xf32>
      %mul3A_174 = arith.mulf %mul3A_173, %mul3A_169 : vector<16xf32>
      %sub3A_175 = arith.constant 1.500000e+00 : f32
      %sub3A_176 = vector.broadcast %sub3A_175 : f32 to vector<16xf32>
      %sub3A_177 = arith.subf %sub3A_176, %mul3A_174 : vector<16xf32>
      %mul3A_178 = arith.mulf %mul3A_169, %sub3A_177 : vector<16xf32>
      %mul3A_179 = arith.constant 5.000000e-01 : f32
      %mul3A_180 = vector.broadcast %mul3A_179 : f32 to vector<16xf32>
      %mul3A_181 = arith.mulf %mul3A_180, %convert_element_type3A_154 : vector<16xf32>
      %mul3A_182 = arith.mulf %mul3A_181, %mul3A_178 : vector<16xf32>
      %mul3A_183 = arith.mulf %mul3A_182, %mul3A_178 : vector<16xf32>
      %sub3A_184 = arith.constant 1.500000e+00 : f32
      %sub3A_185 = vector.broadcast %sub3A_184 : f32 to vector<16xf32>
      %sub3A_186 = arith.subf %sub3A_185, %mul3A_183 : vector<16xf32>
      %mul3A_187 = arith.mulf %mul3A_178, %sub3A_186 : vector<16xf32>
      %eq3A_188 = arith.constant 0 : i32
      %eq3A_189 = vector.broadcast %eq3A_188 : i32 to vector<16xi32>
      %eq3A_190 = arith.cmpi eq, %scan3A_152#0, %eq3A_189 : vector<16xi32>
      %mul3A_191 = arith.mulf %convert_element_type3A_154, %mul3A_187 : vector<16xf32>
      %jit3A_192 = arith.constant 0.000000e+00 : f32
      %broadcast_in_dim3A_193 = vector.broadcast %jit3A_192 : f32 to vector<16xf32>
      %select_n3A_194 = arith.select %eq3A_190, %broadcast_in_dim3A_193, %mul3A_191 : vector<16xi1>, vector<16xf32>
      %mul3A_195 = arith.constant 1.12837923 : f32
      %mul3A_196 = vector.broadcast %mul3A_195 : f32 to vector<16xf32>
      %mul3A_197 = arith.mulf %select_n3A_194, %mul3A_196 : vector<16xf32>
      %swap3A = arith.constant 0 : index
      %swap3A_198 = tpu.vector_load %arg9[%swap3A] {strides = array<i32>} : memref<16xf32, #tpu.memory_space<vmem>>, vector<16xf32>,
      tpu.vector_store %arg9[%swap3A], %mul3A_197 {strides = array<i32>} : memref<16xf32, #tpu.memory_space<vmem>>, vector<16xf32>,
      "tpu.region"() ({
        %run_scoped3A = tpu.sem_alloc : memref<!tpu.dma_semaphore, #tpu.memory_space<semaphore_mem>>
        %dma_start3A_199 = arith.constant 0 : i32
        %dma_start3A_200 = tpu.memref_slice %arg3[%add3A, %dma_start3A_199] : memref<8x16xf32, #tpu.memory_space<hbm>> -> memref<1x16xf32, #tpu.memory_space<hbm>>
        %dma_start3A_201 = tpu.memref_squeeze %dma_start3A_200 : memref<1x16xf32, #tpu.memory_space<hbm>> -> memref<16xf32, #tpu.memory_space<hbm>>
        %dma_start3A_202 = arith.constant 0 : i32
        %dma_start3A_203 = tpu.memref_slice %arg3[%add3A, %dma_start3A_202] : memref<8x16xf32, #tpu.memory_space<hbm>> -> memref<1x16xf32, #tpu.memory_space<hbm>>
        %dma_start3A_204 = tpu.memref_squeeze %dma_start3A_203 : memref<1x16xf32, #tpu.memory_space<hbm>> -> memref<16xf32, #tpu.memory_space<hbm>>
        tpu.enqueue_dma source(%arg9 : memref<16xf32, #tpu.memory_space<vmem>>) target(%dma_start3A_204 : memref<16xf32, #tpu.memory_space<hbm>>) target_semaphore(%run_scoped3A : memref<!tpu.dma_semaphore, #tpu.memory_space<semaphore_mem>>)
        %dma_wait3A_205 = arith.constant 0 : i32
        %dma_wait3A_206 = tpu.memref_slice %arg3[%add3A, %dma_wait3A_205] : memref<8x16xf32, #tpu.memory_space<hbm>> -> memref<1x16xf32, #tpu.memory_space<hbm>>
        %dma_wait3A_207 = tpu.memref_squeeze %dma_wait3A_206 : memref<1x16xf32, #tpu.memory_space<hbm>> -> memref<16xf32, #tpu.memory_space<hbm>>
        %dma_wait3A_208 = arith.constant 0 : i32
        %dma_wait3A_209 = tpu.memref_slice %arg3[%add3A, %dma_wait3A_208] : memref<8x16xf32, #tpu.memory_space<hbm>> -> memref<1x16xf32, #tpu.memory_space<hbm>>
        %dma_wait3A_210 = tpu.memref_squeeze %dma_wait3A_209 : memref<1x16xf32, #tpu.memory_space<hbm>> -> memref<16xf32, #tpu.memory_space<hbm>>
        tpu.wait_dma2 semaphore(%run_scoped3A : memref<!tpu.dma_semaphore, #tpu.memory_space<semaphore_mem>>) src(%arg9 : memref<16xf32, #tpu.memory_space<vmem>>) dst(%dma_wait3A_210 : memref<16xf32, #tpu.memory_space<hbm>>)
        tpu.yield
      }) : () -> ()
    } else {
    }
    return
  }
}

</mosaic_0001>

<sc_bundles>
// kernel: kernel.3.cloned.1.call-start
scs
__scs_entry_jumppad:
0x0: {  	(pc) =	sbr.rel $0x88, $3  }
0x1: {  	(tag) =	ssettag $0x0;
	lr =	simm.s32 $0x1  }
0x2: {  	[smem:$0x3FA0] =	sst lr;
	_ =	strace $0xD0000000  }
0x3: {  	_ = 	snop  }
0x4: {  	_ = 	snop  }
0x5: {  	_ = 	snop  }
0x6: {  	_ = 	snop  }
0x7: {  	_ = 	snop  }
__scs_overlays_trampoline_lowered:
0x8: {  	[smem:$0x3FAF] =	sst s0  }
0x9: {  	[smem:$0x3FB0] =	sst s1  }
0xa: {  	[smem:$0x3FB1] =	sst s2  }
0xb: {  	[smem:$0x3FB2] =	sst s3  }
0xc: {  	[smem:$0x3FB3] =	sst s4  }
0xd: {  	[smem:$0x3FB4] =	sst s5  }
0xe: {  	[smem:$0x3FB5] =	sst s6  }
0xf: {  	[smem:$0x3FB6] =	sst s7  }
0x10: {  	[smem:$0x3FB7] =	sst s8  }
0x11: {  	[smem:$0x3FB8] =	sst s9;
	s0 =	simm.s32 @!p0 $0x0  }
0x12: {  	s1 =	sld [smem:$0x3F9E];
	s0 =	simm.s32 @p0 $0x1  }
0x13: {  	[smem:$0x3FB9] =	sst s0;
	s0 =	simm.s32 @!p1 $0x0  }
0x14: {  	s2 =	sld [smem:$0x3F9D];
	s0 =	simm.s32 @p1 $0x1  }
0x15: {  	[smem:$0x3FBA] =	sst s0;
	s0 =	simm.s32 @!p2 $0x0  }
0x16: {  	s3 =	sld [smem:$0x3FDB];
	s0 =	simm.s32 @p2 $0x1  }
0x17: {  	s4 =	simm.s32 $0x1BF5;
	[smem:$0x3FBC] =	sst s0  }
0x18: {  	s0 =	sld [smem:$0x3F9F];
	_ =	swait.ge [sflag:s4], $0x0  }
0x19: {  	s7 =	sld [smem:$0x3FA0]  }
0x1a: {  	s8 =	sadd.s32 $0xFFFFE003, lr  }
0x1b: {  	s9 =	sadd.s32 $0xFFFFFEF7, lr;
	s5 =	simm.s32 $0xFFFFFFFF;
	p2 =	slt.u32 s8, $0xFFFFF086  }
0x1c: {  	p1 =	slt.u32 s9, $0xF7A;
	s5 =	simm.s32 @!p2 $0x0  }
0x1d: {  	s5 =	simm.s32 @p1 $0x1;
	p0 =	seq.s32 s7, s2  }
0x1e: {  	s7 =	smul.u32 @!p0 $0xF7A, s2;
	p2 =	seq.s32 @!p0 s5, $0x0  }
0x1f: {  	s9 =	smul.u32 $0xF7A, s1;
	s8 =	simm.s32 @!p0 $0x1BF5;
	p2 =	por !p2, p0  }
0x20: {  	[sflag:s8] =	ssyncset.s32 @!p0 $0xFFFFF086;
	s6 =	sadd.s32 @!p0 s3, s7;
	s7 =	simm.s32 @!p0 $0x108  }
0x21: {  	s3 =	sadd.s32 s3, s9;
	s6 =	sadd.s32 @!p0 $0x88, s6;
	s7 =	simm.s32 @p2 $0x1082  }
0x22: {  	[simem:s7], [sflag:s8] =	dma.local @!p0 [hbm:s6], $0xF7A  }
0x23: {  	s9 =	sor.u32 $0xD0000000, s2;
	s6 =	simm.s32 $0x108;
	_ =	swait.ge @!p0 [sflag:s8], $0x0  }
0x24: {  	s3 =	sadd.s32 $0x88, s3;
	s6 =	simm.s32 @!p1 $0x1082;
	[sflag:s4] =	ssyncset.s32 $0xFFFFF086  }
0x25: {  	[simem:s6], [sflag:s4] =	dma.local [hbm:s3], $0xF7A  }
0x26: {  	[smem:$0x3FA0] =	sst s1;
	(tag) =	ssettag s2;
	_ =	strace s9  }
0x27: {  	s1 =	sld [smem:$0x3FB0]  }
0x28: {  	s2 =	sld [smem:$0x3FB1]  }
0x29: {  	s4 =	sld [smem:$0x3FB3]  }
0x2a: {  	p0 =	seq.s32 s5, $0x0;
	s5 =	sld [smem:$0x3FB4]  }
0x2b: {  	s6 =	sld [smem:$0x3FB5]  }
0x2c: {  	s7 =	sld [smem:$0x3FB6]  }
0x2d: {  	s3 =	simm.s32 $0x108;
	s8 =	sld [smem:$0x3FB7]  }
0x2e: {  	s3 =	simm.s32 @!p0 $0x1082;
	s9 =	sld [smem:$0x3FB8]  }
0x2f: {  	lr =	sadd.s32 s0, s3;
	s0 =	sld [smem:$0x3FAF]  }
0x30: {  	s3 =	sld [smem:$0x3FB2]  }
0x31: {  	[smem:$0x3FBB] =	sst s10  }
0x32: {  	s10 =	sld [smem:$0x3FB9];
	_ =	sdelay $0x3  }
0x33: {  	p0 =	seq.s32 s10, $0x1;
	s10 =	sld [smem:$0x3FBB];
	_ =	sdelay $0x3  }
0x34: {  	[smem:$0x3FBB] =	sst s10  }
0x35: {  	s10 =	sld [smem:$0x3FBA];
	_ =	sdelay $0x3  }
0x36: {  	p1 =	seq.s32 s10, $0x1;
	s10 =	sld [smem:$0x3FBB];
	_ =	sdelay $0x3  }
0x37: {  	[smem:$0x3FBB] =	sst s10  }
0x38: {  	s10 =	sld [smem:$0x3FBC]  }
0x39: {  	_ = 	snop;
	(pc) =	sbr.ind lr, $3  }
0x3a: {  	_ = 	snop  }
0x3b: {  	_ = 	snop  }
0x3c: {  	p2 =	seq.s32 s10, $0x1;
	s10 =	sld [smem:$0x3FBB]  }
0x3d: {  	_ =	shalt  }
0x3e: {  	_ =	shalt  }
0x3f: {  	_ =	shalt  }
0x40: {  	_ =	shalt  }
0x41: {  	_ =	shalt  }
0x42: {  	_ =	shalt  }
0x43: {  	_ =	shalt  }
0x44: {  	_ =	shalt  }
0x45: {  	_ =	shalt  }
0x46: {  	_ =	shalt  }
0x47: {  	_ =	shalt  }
0x48: {  	_ =	shalt  }
0x49: {  	_ =	shalt  }
0x4a: {  	_ =	shalt  }
0x4b: {  	_ =	shalt  }
0x4c: {  	_ =	shalt  }
0x4d: {  	_ =	shalt  }
0x4e: {  	_ =	shalt  }
0x4f: {  	_ =	shalt  }
0x50: {  	_ =	shalt  }
0x51: {  	_ =	shalt  }
0x52: {  	_ =	shalt  }
0x53: {  	_ =	shalt  }
0x54: {  	_ =	shalt  }
0x55: {  	_ =	shalt  }
0x56: {  	_ =	shalt  }
0x57: {  	_ =	shalt  }
0x58: {  	_ =	shalt  }
0x59: {  	_ =	shalt  }
0x5a: {  	_ =	shalt  }
0x5b: {  	_ =	shalt  }
0x5c: {  	_ =	shalt  }
0x5d: {  	_ =	shalt  }
0x5e: {  	_ =	shalt  }
0x5f: {  	_ =	shalt  }
0x60: {  	_ =	shalt  }
0x61: {  	_ =	shalt  }
0x62: {  	_ =	shalt  }
0x63: {  	_ =	shalt  }
0x64: {  	_ =	shalt  }
0x65: {  	_ =	shalt  }
0x66: {  	_ =	shalt  }
0x67: {  	_ =	shalt  }
0x68: {  	_ =	shalt  }
0x69: {  	_ =	shalt  }
0x6a: {  	_ =	shalt  }
0x6b: {  	_ =	shalt  }
0x6c: {  	_ =	shalt  }
0x6d: {  	_ =	shalt  }
0x6e: {  	_ =	shalt  }
0x6f: {  	_ =	shalt  }
0x70: {  	_ =	shalt  }
0x71: {  	_ =	shalt  }
0x72: {  	_ =	shalt  }
0x73: {  	_ =	shalt  }
0x74: {  	_ =	shalt  }
0x75: {  	_ =	shalt  }
0x76: {  	_ =	shalt  }
0x77: {  	_ =	shalt  }
0x78: {  	_ =	shalt  }
0x79: {  	_ =	shalt  }
0x7a: {  	_ =	shalt  }
0x7b: {  	_ =	shalt  }
0x7c: {  	_ =	shalt  }
0x7d: {  	_ =	shalt  }
0x7e: {  	_ =	shalt  }
0x7f: {  	_ =	shalt  }
0x80: {  	_ =	shalt  }
0x81: {  	_ =	shalt  }
0x82: {  	_ =	shalt  }
0x83: {  	_ =	shalt  }
0x84: {  	_ =	shalt  }
0x85: {  	_ =	shalt  }
0x86: {  	_ =	shalt  }
0x87: {  	_ =	shalt  }
.Lfunc_end0:
.L_simem_size_0:
called_computation_lowered:
.L_overlay_start_0:
0x88: {  	s2 =	sld [smem:$0x3FD9]  }
0x89: {  	s3 =	sld [smem:$0x3FFE];
	_ =	sdelay $0x1  }
0x8a: {  	s1 =	srdreg.scid  }
0x8b: {  	s0 =	sand.u32 $0x1, s1  }
0x8c: {  	s17 =	sshll.u32 s0, $0xA;
	s2 =	sadd.s32 s3, s2  }
0x8d: {  	s2 =	sadd.s32 s2, s17  }
0x8e: {  	[smem:$0x3FC7] =	sst s2  }
0x8f: {  	_ = 	snop  }
0x90: {  	s2 =	sld [smem:$0x3FC9];
	(tm) =	ssettm $0x1  }
0x91: {  	s18 =	sld [smem:$0x3FFB];
	_ =	sdelay $0x3  }
0x92: {  	_ =	strace s18  }
0x93: {  	s3 =	sld [smem:$0x3FFC];
	_ =	sdelay $0x3  }
0x94: {  	_ =	strace s3  }
0x95: {  	s3 =	sld [smem:$0x3FFD];
	_ =	sdelay $0x3  }
0x96: {  	_ =	strace s3  }
0x97: {  	_ =	strace $0x8FFFFFFF  }
0x98: {  	s19 =	sld [smem:$0x3FDB];
	_ =	sdelay $0x1  }
0x99: {  	s4 =	simm.s32 $_scs_section_size  }
0x9a: {  	s5 =	simm.s32 $_size__tile_overlayer_lowered;
	s6 =	simm.s32 $_tile_overlayer_lowered  }
0x9b: {  	s22 =	simm.s32 $0x1BFF;
	s21 =	sshll.u32 s6, $0x1;
	s3 =	sadd.s32 s4, s19  }
0x9c: {  	s7 =	simm.s32 $0x0;
	s20 =	sshll.u32 s5, $0x1;
	s5 =	sadd.s32 s21, s3  }
0x9d: {  	[timem:s7], [sflag:s22] =	dma.local [hbm:s5], s20  }
0x9e: {  	_ =	swait.ge [sflag:s22], s20  }
0x9f: {  	s4 =	ssub.s32 $0x0, s20;
	[sflag:s22] =	ssyncset.done $0x0  }
0xa0: {  	[sflag:s22] =	ssyncadd.s32 s4;
	_ =	sdelay $0x1  }
0xa1: {  	s23 =	simm.s32 $0x1B8B  }
0xa2: {  	_ =	swait.ge [sflag:s23], $0x1  }
0xa3: {  	[sflag:s23] =	ssyncset.done $0x0  }
0xa4: {  	s25 =	simm.s32 $0x1B8E;
	s24 =	sld [smem:$0x3FFE];
	[sflag:s23] =	ssyncadd.s32 $0xFFFFFFFF  }
0xa5: {  	s26 =	simm.s32 $execute0_lowered;
	[smem:$0x3FD2] =	sst s25  }
0xa6: {  	s5 =	sshll.u32 s26, $0x1;
	_ =	strace $0x80000046;
	[dreg:$0x1] =	wrdreg $0xFFFFFFFF  }
0xa7: {  	s28 =	simm.s32 $_size_execute0_lowered;
	s3 =	sadd.s32 s3, s5;
	[dreg:$0x0] =	wrdreg $0x0  }
0xa8: {  	s5 =	sshll.u32 s28, $0x1;
	[dreg:$0x2] =	wrdreg s3  }
0xa9: {  	[dreg:$0x3] =	wrdreg s5  }
0xaa: {  	[dreg:$0x4] =	wrdreg $0xC0  }
0xab: {  	_ =	task [dreg:s7], $0x5FFFF  }
0xac: {  	[dreg:$0x1] =	wrdreg $0xFFFFFFFF  }
0xad: {  	[dreg:$0x0] =	wrdreg $0x60  }
0xae: {  	[dreg:$0x2] =	wrdreg s2  }
0xaf: {  	[dreg:$0x3] =	wrdreg s24  }
0xb0: {  	[dreg:$0x4] =	wrdreg $0x117000  }
0xb1: {  	[dreg:$0x5] =	wrdreg $0x9  }
0xb2: {  	_ =	task.clear_ibuf [dreg:s7], $0x6FFFF;
	_ =	strace $0x90000046  }
0xb3: {  	s29 =	simm.s32 $0x9;
	_ =	strace $0x80000048  }
0xb4: {  	_ =	swait.ge [sflag:s29], $0x1  }
0xb5: {  	[sflag:s29] =	ssyncadd.s32 $0xFFFFFFFF  }
0xb6: {  	_ =	strace $0x90000048  }
0xb7: {  	_ =	sfence  }
0xb8: {  	s30 =	sld [smem:$0x0];
	_ =	sdelay $0x2  }
0xb9: {  	s31 =	sshll.u32 s1, $0xD;
	s1 =	sshrl.u32 s1, $0x2  }
0xba: {  	s3 =	sand.u32 $0x4000, s31;
	s1 =	sadd.s32 s1, s30  }
0xbb: {  	s0 =	sor.u32 s3, s0;
	s1 =	sshll.u32 s1, $0x11  }
0xbc: {  	s0 =	sor.u32 s1, s0  }
0xbd: {  	s0 =	sadd.s32 $0x8F2B, s0  }
0xbe: {  	[sflag:s0] =	ssyncadd.remote.s32 $0x1  }
0xbf: {  	_ =	sfence.sel $0xFFFF  }
0xc0: {  	[dreg:$0x0] =	wrdreg $0xFFFFFFFF;
	(pc) =	sbr.abs _section_cstart, $3  }
0xc1: {  	[dreg:$0x1] =	wrdreg $0xFFFFFFFF  }
0xc2: {  	_ =	task.clear_ibuf [dreg:s7], $0x2FFFF;
	_ =	strace $0x9FFFFFFF  }
0xc3: {  	(tm) =	ssettm $0x7FFFFFFF  }
tec
execute0_lowered:
.L_overlay_start_1:
0x0: {  	(tag) =	ssettag $0x1  }
0x1: {  	s3 =	rddreg [dreg:$0x0];
	s1 =	srdreg.scid  }
0x2: {  	s0 =	stileid.u32;
	s8 =	rddreg [dreg:$0x1]  }
0x3: {  	s7 =	rddreg [dreg:$0x2];
	s12 =	simm.s32 $0x4000;
	s13 =	simm.s32 $0x1  }
0x4: {  	s14 =	simm.s32 $0x10000;
	s15 =	simm.s32 $0x2;
	s17 =	simm.s32 $0x3  }
0x5: {  	s18 =	simm.s32 $0x11180;
	s19 =	simm.s32 $0x11680;
	s20 =	simm.s32 $0x0  }
0x6: {  	s4 =	sand.u32 $0x1, s1;
	s31 =	sshll.u32 s0, $0x5;
	s16 =	sand.u32 $0x3, s0  }
0x7: {  	s11 =	sshll.u32 s0, $0x8;
	s2 =	sshll.u32 s4, $0x9;
	s1 =	sand.u32 $0x180, s31  }
0x8: {  	s5 =	sshll.u32 s16, $0x13;
	s4 =	ssub.s32 $0x2, s4;
	s7 =	sadd.s32 s11, s7  }
0x9: {  	s11 =	simm.s32 $0x400;
	p0 =	sne.s32 s16, $0x0;
	s16 =	simm.s32 $0x11080  }
0xa: {  	s9 =	sor.u32 s2, s1;
	s1 =	rddreg [dreg:$0x3];
	s2 =	simm.s32 $0x0  }
.Ltmp0:
0xb: {  	s6 =	sshrl.u32 s4, $0x1;
	s5 =	sor.u32 s5, s9;
	(pc) =	sbr.rel .LBB2_1-.Ltmp0, $4  }
0xc: {  	[smem:$0x7FF] =	sst s2;
	s10 =	ssub.s32 s4, s6;
	s9 =	sshrl.u32 s9, $0x3  }
0xd: {  	s5 =	sshrl.u32 s5, $0x3;
	_ =	strace $0x80000047;
	s8 =	sadd.s32 s8, s9  }
0xe: {  	v0 =	vlaneseq.u32;
	s9 =	smax.u32 s10, $0x1;
	s10 =	simm.s32 $0x80;
	s3 =	sadd.s32 s3, s5  }
0xf: {  	v1 =	vimm.s32 $0x0;
	v3 =	vimm.s32 $0x1;
	v2 =	vmul.u32 $0x101, v0;
	s4 =	sadd.s32 $0x4000, s3;
	s5 =	sadd.s32 $0x8000, s3;
	s6 =	sadd.s32 $0xC000, s3  }
.LBB2_18:
0x10: {  	v21 =	vshra.s32 v22, $0x1  }
0x11: {  	vm0 =	vle.s32 v19, v21;
	vm1 =	vle.s32 v20, v21  }
0x12: {  	vm13 =	vle.s32 v18, v21;
	v19 =	vmpcnt.ones.xlane vm0;
	v20 =	vmpcnt.ones.xlane vm1  }
0x13: {  	vm14 =	vle.s32 v17, v21;
	v18 =	vmpcnt.ones.xlane vm13  }
0x14: {  	vm15 =	vle.s32 v16, v21;
	v39 =	vmpcnt.ones.xlane vm14;
	v38 =	vadd.s32 v19, v20  }
0x15: {  	vm4 =	vle.s32 v15, v21;
	v41 =	vmpcnt.ones.xlane vm15;
	v40 =	vadd.s32 v38, v18  }
0x16: {  	vm5 =	vle.s32 v14, v21;
	v43 =	vmpcnt.ones.xlane vm4;
	v42 =	vadd.s32 v40, v39  }
0x17: {  	vm6 =	vle.s32 v13, v21;
	v45 =	vmpcnt.ones.xlane vm5;
	v44 =	vadd.s32 v42, v41  }
0x18: {  	vm7 =	vle.s32 v12, v21;
	v47 =	vmpcnt.ones.xlane vm6;
	v46 =	vadd.s32 v44, v43  }
0x19: {  	vm8 =	vle.s32 v11, v21;
	v49 =	vmpcnt.ones.xlane vm7;
	v48 =	vadd.s32 v46, v45  }
0x1a: {  	vm9 =	vle.s32 v10, v21;
	v51 =	vmpcnt.ones.xlane vm8;
	v50 =	vadd.s32 v48, v47  }
0x1b: {  	vm10 =	vle.s32 v9, v21;
	v53 =	vmpcnt.ones.xlane vm9;
	v52 =	vadd.s32 v50, v49  }
0x1c: {  	vm11 =	vle.s32 v8, v21;
	v55 =	vmpcnt.ones.xlane vm10;
	v54 =	vadd.s32 v52, v51  }
0x1d: {  	vm12 =	vle.s32 v6, v21;
	v57 =	vmpcnt.ones.xlane vm11;
	v56 =	vadd.s32 v54, v53  }
0x1e: {  	v59 =	vmpcnt.ones.xlane vm12;
	vm13 =	vle.s32 v7, v21;
	v58 =	vadd.s32 v56, v55  }
0x1f: {  	vm14 =	vle.s32 v5, v21;
	v7 =	vmpcnt.ones.xlane vm13;
	v6 =	vadd.s32 v58, v57  }
0x20: {  	v60 =	vmpcnt.ones.xlane vm14;
	v5 =	vadd.s32 v6, v59  }
0x21: {  	v5 =	vadd.s32 v5, v7  }
0x22: {  	v5 =	vadd.s32 v5, v60  }
0x23: {  	vm15 =	vgt.s32 v5, $0x7F;
	v5 =	vadd.s32 $0x1, v21  }
0x24: {  	v4 =	vsel vm15, v4, v5  }
0x25: {  	v5 =	vcvt.s32.f32 v4;
	_ =	sdelay $0x1  }
0x26: {  	v61 =	vshra.s32 v5, $0x1;
	v62 =	vmul.f32 $5.000000000e-01, v5  }
0x27: {  	v6 =	vsub.s32 $0x5F3759DF, v61  }
0x28: {  	v63 =	vmul.f32 v6, v62;
	_ =	sdelay $0x1  }
0x29: {  	v8 =	vmul.f32 v6, v63;
	_ =	sdelay $0x1  }
0x2a: {  	v8 =	vsub.f32 $1.500000000e+00, v8;
	_ =	sdelay $0x1  }
0x2b: {  	v6 =	vmul.f32 v6, v8;
	_ =	sdelay $0x1  }
0x2c: {  	v8 =	vmul.f32 v6, v62;
	_ =	sdelay $0x1  }
0x2d: {  	v8 =	vmul.f32 v8, v6;
	_ =	sdelay $0x1  }
0x2e: {  	v8 =	vsub.f32 $1.500000000e+00, v8;
	_ =	sdelay $0x1  }
0x2f: {  	v6 =	vmul.f32 v8, v6;
	_ =	sdelay $0x1  }
0x30: {  	v7 =	vmul.f32 v6, v62;
	_ =	sdelay $0x1  }
0x31: {  	v7 =	vmul.f32 v7, v6;
	_ =	sdelay $0x1  }
0x32: {  	v7 =	vsub.f32 $1.500000000e+00, v7;
	_ =	sdelay $0x1  }
0x33: {  	v6 =	vmul.f32 v7, v6;
	_ =	sdelay $0x1  }
0x34: {  	v5 =	vmul.f32 v5, v6;
	_ =	sdelay $0x1  }
0x35: {  	v5 =	vmul.f32 $1.128379230e+00, v5  }
0x36: {  	vm0 =	veq.s32 v4, $0x0  }
0x37: {  	v4 =	vsel vm0, $0x0, v5  }
0x38: {  	[tilespmem:$0x11680] =	vst v4  }
0x39: {  	[hbm4b:s8+s2] =	stream.linear.scatter [tilespmem:s19], [sflag:$0x3], $0x80, $0x38;
	[tilespmem:$0x11800] =	vst v63  }
0x3a: {  	_ =	swait.ge [sflag:s17], $0x80  }
0x3b: {  	[sflag:s17] =	ssyncset.done $0x0  }
0x3c: {  	[sflag:s17] =	ssyncadd.s32 $0xFFFFFF80  }
.LBB2_19:
0x3d: {  	s20 =	sadd.s32 $0x1, s20  }
0x3e: {  	p1 =	sne.s32 s20, s9  }
.Ltmp1:
0x3f: {  	_ = 	snop;
	(pc) =	sbr.rel @!p1 .LBB2_20-.Ltmp1, $1  }
0x40: {  	_ =	sdelay $0x3  }
.LBB2_1:
0x41: {  	[tilespmem:s2], [sflag:$0x1] =	stream.strided.gather [hbm4b:s3+s10], $0x4000, s11, s10, $0x38;
	[tilespmem:$0x11800] =	vst v63  }
0x42: {  	s21 =	simm.s32 $0x10040  }
0x43: {  	[tilespmem:s12], [sflag:$0x2] =	stream.strided.gather [hbm4b:s4+s10], $0x4000, s11, s10, $0x38;
	[tilespmem:$0x11800] =	vst v63  }
0x44: {  	[tilespmem:s21+$0xFFFFFFC0] =	vst v1  }
0x45: {  	[tilespmem:s21+$0x30] =	vst v1  }
0x46: {  	[tilespmem:s21+$0x20] =	vst v1  }
0x47: {  	[tilespmem:s21+$0x10] =	vst v1  }
0x48: {  	[tilespmem:s21+$0x0] =	vst v1  }
0x49: {  	[tilespmem:s21+$0xFFFFFFF0] =	vst v1  }
0x4a: {  	s22 =	simm.s32 $0x0;
	[tilespmem:s21+$0xFFFFFFE0] =	vst v1  }
.LBB2_2:
0x4b: {  	s22 =	sadd.s32 $0x8, s22;
	[tilespmem:s21+$0xFFFFFFD0] =	vst v1;
	s21 =	sadd.s32 $0x80, s21  }
0x4c: {  	[tilespmem:s21+$0xFFFFFFC0] =	vst v1;
	p1 =	slt.u32 s22, $0xF8  }
0x4d: {  	[tilespmem:s21+$0x30] =	vst v1  }
.Ltmp2:
0x4e: {  	[tilespmem:s21+$0x20] =	vst v1;
	(pc) =	sbr.rel @p1 .LBB2_2-.Ltmp2, $4  }
0x4f: {  	[tilespmem:s21+$0x10] =	vst v1  }
0x50: {  	[tilespmem:s21+$0x0] =	vst v1  }
0x51: {  	[tilespmem:s21+$0xFFFFFFF0] =	vst v1  }
0x52: {  	[tilespmem:s21+$0xFFFFFFE0] =	vst v1  }
0x53: {  	[tilespmem:s21+$0xFFFFFFD0] =	vst v1  }
0x54: {  	[tilespmem:$0x11000] =	vst v1  }
0x55: {  	_ =	swait.ge [sflag:s13], $0x4000  }
0x56: {  	[sflag:s13] =	ssyncset.done $0x0  }
0x57: {  	s21 =	simm.s32 $0x80;
	[sflag:s13] =	ssyncadd.s32 $0xFFFFC000  }
0x58: {  	v4 =	vld [tilespmem:s21+$0x10]  }
0x59: {  	v5 =	vld [tilespmem:s21+$0x0]  }
0x5a: {  	v6 =	vld [tilespmem:s21+$0xFFFFFF80]  }
0x5b: {  	v7 =	vld [tilespmem:s21+$0x70]  }
0x5c: {  	v8 =	vld [tilespmem:s21+$0xFFFFFFA0]  }
0x5d: {  	v9 =	vld [tilespmem:s21+$0xFFFFFFB0]  }
0x5e: {  	v10 =	vld [tilespmem:s21+$0xFFFFFFC0]  }
0x5f: {  	v12 =	vld [tilespmem:s21+$0x50]  }
0x60: {  	v13 =	vld [tilespmem:s21+$0x40];
	v6 =	vadd.s32 v2, v6  }
0x61: {  	v11 =	vld [tilespmem:s21+$0x60];
	v7 =	vadd.s32 v2, v7  }
0x62: {  	v14 =	vld [tilespmem:s21+$0x30]  }
0x63: {  	v15 =	vld [tilespmem:s21+$0x20]  }
0x64: {  	v16 =	vld [tilespmem:s21+$0xFFFFFFD0];
	v59 =	vadd.s32 v2, v12  }
0x65: {  	v60 =	vadd.s32 v2, v13;
	[tilespmem:v6+s14+$0x0] =	vst.idx.add.s32.msk $0xffff, v3  }
0x66: {  	v6 =	vadd.s32 v2, v11;
	[tilespmem:v7+s14+$0x0] =	vst.idx.add.s32.msk $0xffff, v3  }
0x67: {  	v7 =	vld [tilespmem:s21+$0xFFFFFFF0]  }
0x68: {  	v61 =	vld [tilespmem:s21+$0xFFFFFFE0];
	v4 =	vadd.s32 v2, v4  }
0x69: {  	v15 =	vadd.s32 v2, v15;
	[tilespmem:v59+s14+$0x0] =	vst.idx.add.s32.msk $0xffff, v3  }
0x6a: {  	v5 =	vadd.s32 v2, v5;
	[tilespmem:v60+s14+$0x0] =	vst.idx.add.s32.msk $0xffff, v3  }
0x6b: {  	v62 =	vadd.s32 v2, v14;
	[tilespmem:v6+s14+$0x0] =	vst.idx.add.s32.msk $0xffff, v3  }
0x6c: {  	v63 =	vadd.s32 v2, v16;
	v6 =	vadd.s32 v2, v7;
	v7 =	vld [tilespmem:s21+$0xFFFFFF90]  }
0x6d: {  	[tilespmem:v4+s14+$0x0] =	vst.idx.add.s32.msk $0xffff, v3;
	v4 =	vadd.s32 v2, v9  }
0x6e: {  	v10 =	vadd.s32 v2, v10;
	[tilespmem:v15+s14+$0x0] =	vst.idx.add.s32.msk $0xffff, v3  }
0x6f: {  	v8 =	vadd.s32 v2, v8;
	[tilespmem:v5+s14+$0x0] =	vst.idx.add.s32.msk $0xffff, v3  }
0x70: {  	[tilespmem:v62+s14+$0x0] =	vst.idx.add.s32.msk $0xffff, v3  }
0x71: {  	[tilespmem:v63+s14+$0x0] =	vst.idx.add.s32.msk $0xffff, v3;
	v5 =	vadd.s32 v2, v7  }
0x72: {  	[tilespmem:v4+s14+$0x0] =	vst.idx.add.s32.msk $0xffff, v3;
	v4 =	vadd.s32 v2, v61  }
0x73: {  	[tilespmem:v10+s14+$0x0] =	vst.idx.add.s32.msk $0xffff, v3  }
0x74: {  	[tilespmem:v8+s14+$0x0] =	vst.idx.add.s32.msk $0xffff, v3  }
0x75: {  	s22 =	simm.s32 $0x0;
	[tilespmem:v6+s14+$0x0] =	vst.idx.add.s32.msk $0xffff, v3  }
.LBB2_4:
0x76: {  	s22 =	sadd.s32 $0x10, s22;
	[tilespmem:v5+s14+$0x0] =	vst.idx.add.s32.msk $0xffff, v3;
	s21 =	sadd.s32 $0x100, s21  }
0x77: {  	p1 =	slt.u32 s22, $0x3F0;
	[tilespmem:v4+s14+$0x0] =	vst.idx.add.s32.msk $0xffff, v3  }
0x78: {  	v4 =	vld [tilespmem:s21+$0x10]  }
0x79: {  	v5 =	vld [tilespmem:s21+$0x0]  }
0x7a: {  	v6 =	vld [tilespmem:s21+$0xFFFFFF80]  }
0x7b: {  	v7 =	vld [tilespmem:s21+$0x70]  }
0x7c: {  	v8 =	vld [tilespmem:s21+$0xFFFFFFA0]  }
0x7d: {  	v9 =	vld [tilespmem:s21+$0xFFFFFFB0]  }
0x7e: {  	v10 =	vld [tilespmem:s21+$0xFFFFFFC0]  }
0x7f: {  	v6 =	vadd.s32 v2, v6;
	v11 =	vld [tilespmem:s21+$0x60]  }
0x80: {  	v12 =	vld [tilespmem:s21+$0x50];
	v7 =	vadd.s32 v2, v7  }
0x81: {  	v13 =	vld [tilespmem:s21+$0x40]  }
0x82: {  	v14 =	vld [tilespmem:s21+$0x30]  }
0x83: {  	v15 =	vld [tilespmem:s21+$0x20]  }
0x84: {  	[tilespmem:v6+s14+$0x0] =	vst.idx.add.s32.msk $0xffff, v3;
	v6 =	vadd.s32 v2, v11  }
0x85: {  	v11 =	vadd.s32 v2, v12;
	[tilespmem:v7+s14+$0x0] =	vst.idx.add.s32.msk $0xffff, v3  }
0x86: {  	v7 =	vld [tilespmem:s21+$0xFFFFFFF0];
	v12 =	vadd.s32 v2, v13  }
0x87: {  	v13 =	vld [tilespmem:s21+$0xFFFFFFE0]  }
0x88: {  	v16 =	vld [tilespmem:s21+$0xFFFFFFD0];
	v15 =	vadd.s32 v2, v15  }
0x89: {  	v17 =	vadd.s32 v2, v4;
	[tilespmem:v6+s14+$0x0] =	vst.idx.add.s32.msk $0xffff, v3  }
0x8a: {  	v5 =	vadd.s32 v2, v5;
	[tilespmem:v11+s14+$0x0] =	vst.idx.add.s32.msk $0xffff, v3  }
0x8b: {  	v6 =	vadd.s32 v2, v7;
	[tilespmem:v12+s14+$0x0] =	vst.idx.add.s32.msk $0xffff, v3  }
0x8c: {  	v11 =	vadd.s32 v2, v14;
	v7 =	vld [tilespmem:s21+$0xFFFFFF90];
	v4 =	vadd.s32 v2, v13  }
0x8d: {  	v12 =	vadd.s32 v2, v16;
	[tilespmem:v15+s14+$0x0] =	vst.idx.add.s32.msk $0xffff, v3  }
0x8e: {  	v10 =	vadd.s32 v2, v10;
	[tilespmem:v17+s14+$0x0] =	vst.idx.add.s32.msk $0xffff, v3  }
0x8f: {  	v9 =	vadd.s32 v2, v9;
	[tilespmem:v5+s14+$0x0] =	vst.idx.add.s32.msk $0xffff, v3  }
0x90: {  	v8 =	vadd.s32 v2, v8;
	[tilespmem:v6+s14+$0x0] =	vst.idx.add.s32.msk $0xffff, v3  }
.Ltmp3:
0x91: {  	v5 =	vadd.s32 v2, v7;
	[tilespmem:v11+s14+$0x0] =	vst.idx.add.s32.msk $0xffff, v3;
	(pc) =	sbr.rel @p1 .LBB2_4-.Ltmp3, $4  }
0x92: {  	[tilespmem:v12+s14+$0x0] =	vst.idx.add.s32.msk $0xffff, v3  }
0x93: {  	[tilespmem:v10+s14+$0x0] =	vst.idx.add.s32.msk $0xffff, v3  }
0x94: {  	[tilespmem:v9+s14+$0x0] =	vst.idx.add.s32.msk $0xffff, v3  }
0x95: {  	[tilespmem:v8+s14+$0x0] =	vst.idx.add.s32.msk $0xffff, v3  }
0x96: {  	_ =	sdelay $0x3  }
0x97: {  	[tilespmem:v5+s14+$0x0] =	vst.idx.add.s32.msk $0xffff, v3  }
0x98: {  	[tilespmem:v4+s14+$0x0] =	vst.idx.add.s32.msk $0xffff, v3  }
0x99: {  	[tilespmem:s2], [sflag:$0x1] =	stream.strided.gather [hbm4b:s5+s10], $0x4000, s11, s10, $0x38;
	[tilespmem:$0x11800] =	vst v63  }
0x9a: {  	_ =	swait.ge [sflag:s15], $0x4000  }
0x9b: {  	[sflag:s15] =	ssyncset.done $0x0  }
0x9c: {  	s21 =	simm.s32 $0x40F0;
	[sflag:s15] =	ssyncadd.s32 $0xFFFFC000  }
0x9d: {  	v4 =	vld [tilespmem:s21+$0xFFFFFFA0]  }
0x9e: {  	v5 =	vld [tilespmem:s21+$0xFFFFFF90]  }
0x9f: {  	v6 =	vld [tilespmem:s21+$0xFFFFFF10]  }
0xa0: {  	v7 =	vld [tilespmem:s21+$0x0]  }
0xa1: {  	v8 =	vld [tilespmem:s21+$0xFFFFFF30]  }
0xa2: {  	v9 =	vld [tilespmem:s21+$0xFFFFFF40]  }
0xa3: {  	v10 =	vld [tilespmem:s21+$0xFFFFFF50]  }
0xa4: {  	v12 =	vld [tilespmem:s21+$0xFFFFFFE0]  }
0xa5: {  	v13 =	vld [tilespmem:s21+$0xFFFFFFD0];
	v6 =	vadd.s32 v2, v6  }
0xa6: {  	v11 =	vld [tilespmem:s21+$0xFFFFFFF0];
	v7 =	vadd.s32 v2, v7  }
0xa7: {  	v14 =	vld [tilespmem:s21+$0xFFFFFFC0]  }
0xa8: {  	v15 =	vld [tilespmem:s21+$0xFFFFFFB0]  }
0xa9: {  	v16 =	vld [tilespmem:s21+$0xFFFFFF60];
	v59 =	vadd.s32 v2, v12  }
0xaa: {  	v60 =	vadd.s32 v2, v13;
	[tilespmem:v6+s14+$0x0] =	vst.idx.add.s32.msk $0xffff, v3  }
0xab: {  	v6 =	vadd.s32 v2, v11;
	[tilespmem:v7+s14+$0x0] =	vst.idx.add.s32.msk $0xffff, v3  }
0xac: {  	v7 =	vld [tilespmem:s21+$0xFFFFFF80]  }
0xad: {  	v61 =	vld [tilespmem:s21+$0xFFFFFF70];
	v4 =	vadd.s32 v2, v4  }
0xae: {  	v15 =	vadd.s32 v2, v15;
	[tilespmem:v59+s14+$0x0] =	vst.idx.add.s32.msk $0xffff, v3  }
0xaf: {  	v5 =	vadd.s32 v2, v5;
	[tilespmem:v60+s14+$0x0] =	vst.idx.add.s32.msk $0xffff, v3  }
0xb0: {  	v62 =	vadd.s32 v2, v14;
	[tilespmem:v6+s14+$0x0] =	vst.idx.add.s32.msk $0xffff, v3  }
0xb1: {  	v63 =	vadd.s32 v2, v16;
	v6 =	vadd.s32 v2, v7;
	v7 =	vld [tilespmem:s21+$0xFFFFFF20]  }
0xb2: {  	[tilespmem:v4+s14+$0x0] =	vst.idx.add.s32.msk $0xffff, v3;
	v4 =	vadd.s32 v2, v9  }
0xb3: {  	v10 =	vadd.s32 v2, v10;
	[tilespmem:v15+s14+$0x0] =	vst.idx.add.s32.msk $0xffff, v3  }
0xb4: {  	v8 =	vadd.s32 v2, v8;
	[tilespmem:v5+s14+$0x0] =	vst.idx.add.s32.msk $0xffff, v3  }
0xb5: {  	[tilespmem:v62+s14+$0x0] =	vst.idx.add.s32.msk $0xffff, v3  }
0xb6: {  	[tilespmem:v63+s14+$0x0] =	vst.idx.add.s32.msk $0xffff, v3;
	v5 =	vadd.s32 v2, v7  }
0xb7: {  	[tilespmem:v4+s14+$0x0] =	vst.idx.add.s32.msk $0xffff, v3;
	v4 =	vadd.s32 v2, v61  }
0xb8: {  	[tilespmem:v10+s14+$0x0] =	vst.idx.add.s32.msk $0xffff, v3  }
0xb9: {  	[tilespmem:v8+s14+$0x0] =	vst.idx.add.s32.msk $0xffff, v3  }
0xba: {  	s22 =	simm.s32 $0x0;
	[tilespmem:v6+s14+$0x0] =	vst.idx.add.s32.msk $0xffff, v3  }
.LBB2_6:
0xbb: {  	s22 =	sadd.s32 $0x10, s22;
	[tilespmem:v5+s14+$0x0] =	vst.idx.add.s32.msk $0xffff, v3;
	s21 =	sadd.s32 $0x100, s21  }
0xbc: {  	p1 =	slt.u32 s22, $0x3F0;
	[tilespmem:v4+s14+$0x0] =	vst.idx.add.s32.msk $0xffff, v3  }
0xbd: {  	v4 =	vld [tilespmem:s21+$0xFFFFFFA0]  }
0xbe: {  	v5 =	vld [tilespmem:s21+$0xFFFFFF90]  }
0xbf: {  	v6 =	vld [tilespmem:s21+$0xFFFFFF10]  }
0xc0: {  	v7 =	vld [tilespmem:s21+$0x0]  }
0xc1: {  	v8 =	vld [tilespmem:s21+$0xFFFFFF30]  }
0xc2: {  	v9 =	vld [tilespmem:s21+$0xFFFFFF40]  }
0xc3: {  	v10 =	vld [tilespmem:s21+$0xFFFFFF50]  }
0xc4: {  	v6 =	vadd.s32 v2, v6;
	v11 =	vld [tilespmem:s21+$0xFFFFFFF0]  }
0xc5: {  	v12 =	vld [tilespmem:s21+$0xFFFFFFE0];
	v7 =	vadd.s32 v2, v7  }
0xc6: {  	v13 =	vld [tilespmem:s21+$0xFFFFFFD0]  }
0xc7: {  	v14 =	vld [tilespmem:s21+$0xFFFFFFC0]  }
0xc8: {  	v15 =	vld [tilespmem:s21+$0xFFFFFFB0]  }
0xc9: {  	[tilespmem:v6+s14+$0x0] =	vst.idx.add.s32.msk $0xffff, v3;
	v6 =	vadd.s32 v2, v11  }
0xca: {  	v11 =	vadd.s32 v2, v12;
	[tilespmem:v7+s14+$0x0] =	vst.idx.add.s32.msk $0xffff, v3  }
0xcb: {  	v7 =	vld [tilespmem:s21+$0xFFFFFF80];
	v12 =	vadd.s32 v2, v13  }
0xcc: {  	v13 =	vld [tilespmem:s21+$0xFFFFFF70]  }
0xcd: {  	v16 =	vld [tilespmem:s21+$0xFFFFFF60];
	v15 =	vadd.s32 v2, v15  }
0xce: {  	v17 =	vadd.s32 v2, v4;
	[tilespmem:v6+s14+$0x0] =	vst.idx.add.s32.msk $0xffff, v3  }
0xcf: {  	v5 =	vadd.s32 v2, v5;
	[tilespmem:v11+s14+$0x0] =	vst.idx.add.s32.msk $0xffff, v3  }
0xd0: {  	v6 =	vadd.s32 v2, v7;
	[tilespmem:v12+s14+$0x0] =	vst.idx.add.s32.msk $0xffff, v3  }
0xd1: {  	v11 =	vadd.s32 v2, v14;
	v7 =	vld [tilespmem:s21+$0xFFFFFF20];
	v4 =	vadd.s32 v2, v13  }
0xd2: {  	v12 =	vadd.s32 v2, v16;
	[tilespmem:v15+s14+$0x0] =	vst.idx.add.s32.msk $0xffff, v3  }
0xd3: {  	v10 =	vadd.s32 v2, v10;
	[tilespmem:v17+s14+$0x0] =	vst.idx.add.s32.msk $0xffff, v3  }
0xd4: {  	v9 =	vadd.s32 v2, v9;
	[tilespmem:v5+s14+$0x0] =	vst.idx.add.s32.msk $0xffff, v3  }
0xd5: {  	v8 =	vadd.s32 v2, v8;
	[tilespmem:v6+s14+$0x0] =	vst.idx.add.s32.msk $0xffff, v3  }
.Ltmp4:
0xd6: {  	v5 =	vadd.s32 v2, v7;
	[tilespmem:v11+s14+$0x0] =	vst.idx.add.s32.msk $0xffff, v3;
	(pc) =	sbr.rel @p1 .LBB2_6-.Ltmp4, $4  }
0xd7: {  	[tilespmem:v12+s14+$0x0] =	vst.idx.add.s32.msk $0xffff, v3  }
0xd8: {  	[tilespmem:v10+s14+$0x0] =	vst.idx.add.s32.msk $0xffff, v3  }
0xd9: {  	[tilespmem:v9+s14+$0x0] =	vst.idx.add.s32.msk $0xffff, v3  }
0xda: {  	[tilespmem:v8+s14+$0x0] =	vst.idx.add.s32.msk $0xffff, v3  }
0xdb: {  	_ =	sdelay $0x3  }
0xdc: {  	[tilespmem:v5+s14+$0x0] =	vst.idx.add.s32.msk $0xffff, v3  }
0xdd: {  	[tilespmem:v4+s14+$0x0] =	vst.idx.add.s32.msk $0xffff, v3;
	s21 =	simm.s32 $0x80  }
0xde: {  	[tilespmem:s12], [sflag:$0x2] =	stream.strided.gather [hbm4b:s6+s21], $0x4000, s11, s21, $0x38;
	[tilespmem:$0x11800] =	vst v63  }
0xdf: {  	_ =	swait.ge [sflag:s13], $0x4000  }
0xe0: {  	[sflag:s13] =	ssyncset.done $0x0  }
0xe1: {  	[sflag:s13] =	ssyncadd.s32 $0xFFFFC000  }
0xe2: {  	v4 =	vld [tilespmem:s21+$0x10]  }
0xe3: {  	v5 =	vld [tilespmem:s21+$0x0]  }
0xe4: {  	v6 =	vld [tilespmem:s21+$0xFFFFFF80]  }
0xe5: {  	v7 =	vld [tilespmem:s21+$0x70]  }
0xe6: {  	v8 =	vld [tilespmem:s21+$0xFFFFFFA0]  }
0xe7: {  	v9 =	vld [tilespmem:s21+$0xFFFFFFB0]  }
0xe8: {  	v10 =	vld [tilespmem:s21+$0xFFFFFFC0]  }
0xe9: {  	v12 =	vld [tilespmem:s21+$0x50]  }
0xea: {  	v13 =	vld [tilespmem:s21+$0x40];
	v6 =	vadd.s32 v2, v6  }
0xeb: {  	v11 =	vld [tilespmem:s21+$0x60];
	v7 =	vadd.s32 v2, v7  }
0xec: {  	v14 =	vld [tilespmem:s21+$0x30]  }
0xed: {  	v15 =	vld [tilespmem:s21+$0x20]  }
0xee: {  	v16 =	vld [tilespmem:s21+$0xFFFFFFD0];
	v59 =	vadd.s32 v2, v12  }
0xef: {  	v60 =	vadd.s32 v2, v13;
	[tilespmem:v6+s14+$0x0] =	vst.idx.add.s32.msk $0xffff, v3  }
0xf0: {  	v6 =	vadd.s32 v2, v11;
	[tilespmem:v7+s14+$0x0] =	vst.idx.add.s32.msk $0xffff, v3  }
0xf1: {  	v7 =	vld [tilespmem:s21+$0xFFFFFFF0]  }
0xf2: {  	v61 =	vld [tilespmem:s21+$0xFFFFFFE0];
	v4 =	vadd.s32 v2, v4  }
0xf3: {  	v15 =	vadd.s32 v2, v15;
	[tilespmem:v59+s14+$0x0] =	vst.idx.add.s32.msk $0xffff, v3  }
0xf4: {  	v5 =	vadd.s32 v2, v5;
	[tilespmem:v60+s14+$0x0] =	vst.idx.add.s32.msk $0xffff, v3  }
0xf5: {  	v62 =	vadd.s32 v2, v14;
	[tilespmem:v6+s14+$0x0] =	vst.idx.add.s32.msk $0xffff, v3  }
0xf6: {  	v63 =	vadd.s32 v2, v16;
	v6 =	vadd.s32 v2, v7;
	v7 =	vld [tilespmem:s21+$0xFFFFFF90]  }
0xf7: {  	[tilespmem:v4+s14+$0x0] =	vst.idx.add.s32.msk $0xffff, v3;
	v4 =	vadd.s32 v2, v9  }
0xf8: {  	v10 =	vadd.s32 v2, v10;
	[tilespmem:v15+s14+$0x0] =	vst.idx.add.s32.msk $0xffff, v3  }
0xf9: {  	v8 =	vadd.s32 v2, v8;
	[tilespmem:v5+s14+$0x0] =	vst.idx.add.s32.msk $0xffff, v3  }
0xfa: {  	[tilespmem:v62+s14+$0x0] =	vst.idx.add.s32.msk $0xffff, v3  }
0xfb: {  	[tilespmem:v63+s14+$0x0] =	vst.idx.add.s32.msk $0xffff, v3;
	v5 =	vadd.s32 v2, v7  }
0xfc: {  	[tilespmem:v4+s14+$0x0] =	vst.idx.add.s32.msk $0xffff, v3;
	v4 =	vadd.s32 v2, v61  }
0xfd: {  	[tilespmem:v10+s14+$0x0] =	vst.idx.add.s32.msk $0xffff, v3  }
0xfe: {  	[tilespmem:v8+s14+$0x0] =	vst.idx.add.s32.msk $0xffff, v3  }
0xff: {  	s22 =	simm.s32 $0x0;
	[tilespmem:v6+s14+$0x0] =	vst.idx.add.s32.msk $0xffff, v3  }
.LBB2_8:
0x100: {  	s22 =	sadd.s32 $0x10, s22;
	[tilespmem:v5+s14+$0x0] =	vst.idx.add.s32.msk $0xffff, v3;
	s21 =	sadd.s32 $0x100, s21  }
0x101: {  	p1 =	slt.u32 s22, $0x3F0;
	[tilespmem:v4+s14+$0x0] =	vst.idx.add.s32.msk $0xffff, v3  }
0x102: {  	v4 =	vld [tilespmem:s21+$0x10]  }
0x103: {  	v5 =	vld [tilespmem:s21+$0x0]  }
0x104: {  	v6 =	vld [tilespmem:s21+$0xFFFFFF80]  }
0x105: {  	v7 =	vld [tilespmem:s21+$0x70]  }
0x106: {  	v8 =	vld [tilespmem:s21+$0xFFFFFFA0]  }
0x107: {  	v9 =	vld [tilespmem:s21+$0xFFFFFFB0]  }
0x108: {  	v10 =	vld [tilespmem:s21+$0xFFFFFFC0]  }
0x109: {  	v6 =	vadd.s32 v2, v6;
	v11 =	vld [tilespmem:s21+$0x60]  }
0x10a: {  	v12 =	vld [tilespmem:s21+$0x50];
	v7 =	vadd.s32 v2, v7  }
0x10b: {  	v13 =	vld [tilespmem:s21+$0x40]  }
0x10c: {  	v14 =	vld [tilespmem:s21+$0x30]  }
0x10d: {  	v15 =	vld [tilespmem:s21+$0x20]  }
0x10e: {  	[tilespmem:v6+s14+$0x0] =	vst.idx.add.s32.msk $0xffff, v3;
	v6 =	vadd.s32 v2, v11  }
0x10f: {  	v11 =	vadd.s32 v2, v12;
	[tilespmem:v7+s14+$0x0] =	vst.idx.add.s32.msk $0xffff, v3  }
0x110: {  	v7 =	vld [tilespmem:s21+$0xFFFFFFF0];
	v12 =	vadd.s32 v2, v13  }
0x111: {  	v13 =	vld [tilespmem:s21+$0xFFFFFFE0]  }
0x112: {  	v16 =	vld [tilespmem:s21+$0xFFFFFFD0];
	v15 =	vadd.s32 v2, v15  }
0x113: {  	v17 =	vadd.s32 v2, v4;
	[tilespmem:v6+s14+$0x0] =	vst.idx.add.s32.msk $0xffff, v3  }
0x114: {  	v5 =	vadd.s32 v2, v5;
	[tilespmem:v11+s14+$0x0] =	vst.idx.add.s32.msk $0xffff, v3  }
0x115: {  	v6 =	vadd.s32 v2, v7;
	[tilespmem:v12+s14+$0x0] =	vst.idx.add.s32.msk $0xffff, v3  }
0x116: {  	v11 =	vadd.s32 v2, v14;
	v7 =	vld [tilespmem:s21+$0xFFFFFF90];
	v4 =	vadd.s32 v2, v13  }
0x117: {  	v12 =	vadd.s32 v2, v16;
	[tilespmem:v15+s14+$0x0] =	vst.idx.add.s32.msk $0xffff, v3  }
0x118: {  	v10 =	vadd.s32 v2, v10;
	[tilespmem:v17+s14+$0x0] =	vst.idx.add.s32.msk $0xffff, v3  }
0x119: {  	v9 =	vadd.s32 v2, v9;
	[tilespmem:v5+s14+$0x0] =	vst.idx.add.s32.msk $0xffff, v3  }
0x11a: {  	v8 =	vadd.s32 v2, v8;
	[tilespmem:v6+s14+$0x0] =	vst.idx.add.s32.msk $0xffff, v3  }
.Ltmp5:
0x11b: {  	v5 =	vadd.s32 v2, v7;
	[tilespmem:v11+s14+$0x0] =	vst.idx.add.s32.msk $0xffff, v3;
	(pc) =	sbr.rel @p1 .LBB2_8-.Ltmp5, $4  }
0x11c: {  	[tilespmem:v12+s14+$0x0] =	vst.idx.add.s32.msk $0xffff, v3  }
0x11d: {  	[tilespmem:v10+s14+$0x0] =	vst.idx.add.s32.msk $0xffff, v3  }
0x11e: {  	[tilespmem:v9+s14+$0x0] =	vst.idx.add.s32.msk $0xffff, v3  }
0x11f: {  	[tilespmem:v8+s14+$0x0] =	vst.idx.add.s32.msk $0xffff, v3  }
0x120: {  	_ =	sdelay $0x3  }
0x121: {  	[tilespmem:v5+s14+$0x0] =	vst.idx.add.s32.msk $0xffff, v3  }
0x122: {  	[tilespmem:v4+s14+$0x0] =	vst.idx.add.s32.msk $0xffff, v3  }
0x123: {  	_ =	swait.ge [sflag:s15], $0x4000  }
0x124: {  	[sflag:s15] =	ssyncset.done $0x0  }
0x125: {  	s23 =	simm.s32 $0x40F0;
	[sflag:s15] =	ssyncadd.s32 $0xFFFFC000  }
0x126: {  	v4 =	vld [tilespmem:s23+$0xFFFFFFA0]  }
0x127: {  	v5 =	vld [tilespmem:s23+$0xFFFFFFB0]  }
0x128: {  	v6 =	vld [tilespmem:s23+$0xFFFFFF10]  }
0x129: {  	v7 =	vld [tilespmem:s23+$0x0]  }
0x12a: {  	v8 =	vld [tilespmem:s23+$0xFFFFFF20]  }
0x12b: {  	v9 =	vld [tilespmem:s23+$0xFFFFFF30]  }
0x12c: {  	v10 =	vld [tilespmem:s23+$0xFFFFFF40]  }
0x12d: {  	v11 =	vld [tilespmem:s23+$0xFFFFFF50]  }
0x12e: {  	v13 =	vld [tilespmem:s23+$0xFFFFFFE0];
	v6 =	vadd.s32 v2, v6  }
0x12f: {  	v14 =	vld [tilespmem:s23+$0xFFFFFFD0];
	v7 =	vadd.s32 v2, v7  }
0x130: {  	v12 =	vld [tilespmem:s23+$0xFFFFFFF0]  }
0x131: {  	v15 =	vld [tilespmem:s23+$0xFFFFFFC0]  }
0x132: {  	v16 =	vld [tilespmem:s23+$0xFFFFFF70]  }
0x133: {  	v60 =	vadd.s32 v2, v13;
	[tilespmem:v6+s14+$0x0] =	vst.idx.add.s32.msk $0xffff, v3  }
0x134: {  	v14 =	vadd.s32 v2, v14;
	[tilespmem:v7+s14+$0x0] =	vst.idx.add.s32.msk $0xffff, v3  }
0x135: {  	v6 =	vadd.s32 v2, v12;
	v7 =	vld [tilespmem:s23+$0xFFFFFF90]  }
0x136: {  	v61 =	vld [tilespmem:s23+$0xFFFFFF80];
	v4 =	vadd.s32 v2, v4  }
0x137: {  	v17 =	vld [tilespmem:s23+$0xFFFFFF60];
	v15 =	vadd.s32 v2, v15  }
0x138: {  	v5 =	vadd.s32 v2, v5;
	[tilespmem:v60+s14+$0x0] =	vst.idx.add.s32.msk $0xffff, v3  }
0x139: {  	v62 =	vadd.s32 v2, v16;
	[tilespmem:v14+s14+$0x0] =	vst.idx.add.s32.msk $0xffff, v3  }
0x13a: {  	[tilespmem:v6+s14+$0x0] =	vst.idx.add.s32.msk $0xffff, v3;
	v6 =	vadd.s32 v2, v7  }
0x13b: {  	[tilespmem:v4+s14+$0x0] =	vst.idx.add.s32.msk $0xffff, v3;
	v4 =	vadd.s32 v2, v10  }
0x13c: {  	v63 =	vadd.s32 v2, v17;
	[tilespmem:v15+s14+$0x0] =	vst.idx.add.s32.msk $0xffff, v3  }
0x13d: {  	[tilespmem:v5+s14+$0x0] =	vst.idx.add.s32.msk $0xffff, v3;
	v5 =	vadd.s32 v2, v11  }
0x13e: {  	[tilespmem:v62+s14+$0x0] =	vst.idx.add.s32.msk $0xffff, v3;
	v7 =	vadd.s32 v2, v61  }
0x13f: {  	[tilespmem:v6+s14+$0x0] =	vst.idx.add.s32.msk $0xffff, v3;
	v6 =	vadd.s32 v2, v9  }
0x140: {  	[tilespmem:v4+s14+$0x0] =	vst.idx.add.s32.msk $0xffff, v3;
	v4 =	vadd.s32 v2, v8  }
0x141: {  	[tilespmem:v63+s14+$0x0] =	vst.idx.add.s32.msk $0xffff, v3  }
0x142: {  	[tilespmem:v5+s14+$0x0] =	vst.idx.add.s32.msk $0xffff, v3  }
0x143: {  	[tilespmem:v7+s14+$0x0] =	vst.idx.add.s32.msk $0xffff, v3  }
0x144: {  	s24 =	simm.s32 $0x0;
	s22 =	simm.s32 $0x10808;
	s21 =	simm.s32 $0x110A0;
	[tilespmem:v6+s14+$0x0] =	vst.idx.add.s32.msk $0xffff, v3  }
.LBB2_10:
0x145: {  	s24 =	sadd.s32 $0x10, s24;
	[tilespmem:v4+s14+$0x0] =	vst.idx.add.s32.msk $0xffff, v3;
	s23 =	sadd.s32 $0x100, s23  }
0x146: {  	v4 =	vld [tilespmem:s23+$0xFFFFFFA0];
	p1 =	slt.u32 s24, $0x3F0  }
0x147: {  	v5 =	vld [tilespmem:s23+$0xFFFFFFB0]  }
0x148: {  	v6 =	vld [tilespmem:s23+$0xFFFFFF10]  }
0x149: {  	v7 =	vld [tilespmem:s23+$0x0]  }
0x14a: {  	v8 =	vld [tilespmem:s23+$0xFFFFFF20]  }
0x14b: {  	v9 =	vld [tilespmem:s23+$0xFFFFFF30]  }
0x14c: {  	v10 =	vld [tilespmem:s23+$0xFFFFFF40]  }
0x14d: {  	v6 =	vadd.s32 v2, v6;
	v11 =	vld [tilespmem:s23+$0xFFFFFF50]  }
0x14e: {  	v12 =	vld [tilespmem:s23+$0xFFFFFFF0];
	v7 =	vadd.s32 v2, v7  }
0x14f: {  	v13 =	vld [tilespmem:s23+$0xFFFFFFE0]  }
0x150: {  	v14 =	vld [tilespmem:s23+$0xFFFFFFD0]  }
0x151: {  	v15 =	vld [tilespmem:s23+$0xFFFFFFC0]  }
0x152: {  	[tilespmem:v6+s14+$0x0] =	vst.idx.add.s32.msk $0xffff, v3  }
0x153: {  	v6 =	vadd.s32 v2, v12;
	[tilespmem:v7+s14+$0x0] =	vst.idx.add.s32.msk $0xffff, v3  }
0x154: {  	v7 =	vld [tilespmem:s23+$0xFFFFFF90];
	v12 =	vadd.s32 v2, v13  }
0x155: {  	v13 =	vld [tilespmem:s23+$0xFFFFFF80];
	v14 =	vadd.s32 v2, v14  }
0x156: {  	v16 =	vld [tilespmem:s23+$0xFFFFFF70];
	v15 =	vadd.s32 v2, v15  }
0x157: {  	v5 =	vadd.s32 v2, v5;
	v17 =	vld [tilespmem:s23+$0xFFFFFF60]  }
0x158: {  	v4 =	vadd.s32 v2, v4;
	[tilespmem:v6+s14+$0x0] =	vst.idx.add.s32.msk $0xffff, v3  }
0x159: {  	v6 =	vadd.s32 v2, v7;
	[tilespmem:v12+s14+$0x0] =	vst.idx.add.s32.msk $0xffff, v3  }
0x15a: {  	v7 =	vadd.s32 v2, v13;
	[tilespmem:v14+s14+$0x0] =	vst.idx.add.s32.msk $0xffff, v3  }
0x15b: {  	v12 =	vadd.s32 v2, v16;
	[tilespmem:v15+s14+$0x0] =	vst.idx.add.s32.msk $0xffff, v3  }
0x15c: {  	v13 =	vadd.s32 v2, v17;
	[tilespmem:v5+s14+$0x0] =	vst.idx.add.s32.msk $0xffff, v3  }
0x15d: {  	v5 =	vadd.s32 v2, v11;
	[tilespmem:v4+s14+$0x0] =	vst.idx.add.s32.msk $0xffff, v3  }
0x15e: {  	v10 =	vadd.s32 v2, v10;
	[tilespmem:v6+s14+$0x0] =	vst.idx.add.s32.msk $0xffff, v3  }
0x15f: {  	v6 =	vadd.s32 v2, v9;
	[tilespmem:v7+s14+$0x0] =	vst.idx.add.s32.msk $0xffff, v3  }
.Ltmp6:
0x160: {  	v4 =	vadd.s32 v2, v8;
	[tilespmem:v12+s14+$0x0] =	vst.idx.add.s32.msk $0xffff, v3;
	(pc) =	sbr.rel @p1 .LBB2_10-.Ltmp6, $4  }
0x161: {  	[tilespmem:v13+s14+$0x0] =	vst.idx.add.s32.msk $0xffff, v3  }
0x162: {  	[tilespmem:v5+s14+$0x0] =	vst.idx.add.s32.msk $0xffff, v3  }
0x163: {  	[tilespmem:v10+s14+$0x0] =	vst.idx.add.s32.msk $0xffff, v3  }
0x164: {  	[tilespmem:v6+s14+$0x0] =	vst.idx.add.s32.msk $0xffff, v3  }
0x165: {  	_ =	sdelay $0x3  }
0x166: {  	[tilespmem:v4+s14+$0x0] =	vst.idx.add.s32.msk $0xffff, v3  }
0x167: {  	v4 =	vld [tilespmem:s22+$0xFFFFF828]  }
0x168: {  	v5 =	vld [tilespmem:s22+$0xFFFFF929]  }
0x169: {  	v6 =	vld [tilespmem:s22+$0xFFFFFA2A]  }
0x16a: {  	v7 =	vld [tilespmem:s22+$0xFFFFFB2B]  }
0x16b: {  	v8 =	vld [tilespmem:s22+$0xFFFFFC2C]  }
0x16c: {  	v9 =	vld [tilespmem:s22+$0xFFFFFD2D]  }
0x16d: {  	v10 =	vld [tilespmem:s22+$0xFFFFFE2E]  }
0x16e: {  	v11 =	vld [tilespmem:s22+$0xFFFFFF2F]  }
0x16f: {  	v12 =	vld [tilespmem:s22+$0x30]  }
0x170: {  	v13 =	vld [tilespmem:s22+$0x131]  }
0x171: {  	v14 =	vld [tilespmem:s22+$0x232]  }
0x172: {  	v15 =	vld [tilespmem:s22+$0x333]  }
0x173: {  	v16 =	vld [tilespmem:s22+$0x434]  }
0x174: {  	v17 =	vld [tilespmem:s22+$0x535]  }
0x175: {  	v18 =	vld [tilespmem:s22+$0x636]  }
0x176: {  	v19 =	vld [tilespmem:s22+$0x737]  }
0x177: {  	v20 =	vld [tilespmem:s22+$0xFFFFF8F9]  }
0x178: {  	v21 =	vld [tilespmem:s22+$0xFFFFF808]  }
0x179: {  	v22 =	vld [tilespmem:s22+$0xFFFFF909]  }
0x17a: {  	v23 =	vld [tilespmem:s22+$0xFFFFF818]  }
0x17b: {  	v24 =	vld [tilespmem:s22+$0xFFFFF919]  }
0x17c: {  	v25 =	vld [tilespmem:s22+$0xFFFFF7F8]  }
0x17d: {  	v26 =	vld [tilespmem:s22+$0xFFFFF9FA]  }
0x17e: {  	v27 =	vld [tilespmem:s22+$0xFFFFFA0A]  }
0x17f: {  	v28 =	vld [tilespmem:s22+$0xFFFFFA1A]  }
0x180: {  	v29 =	vld [tilespmem:s22+$0xFFFFFAFB]  }
0x181: {  	v30 =	vld [tilespmem:s22+$0xFFFFFB0B]  }
0x182: {  	v31 =	vld [tilespmem:s22+$0xFFFFFB1B]  }
0x183: {  	v32 =	vld [tilespmem:s22+$0xFFFFFBFC]  }
0x184: {  	v33 =	vld [tilespmem:s22+$0xFFFFFC0C]  }
0x185: {  	v34 =	vld [tilespmem:s22+$0xFFFFFC1C]  }
0x186: {  	v35 =	vld [tilespmem:s22+$0xFFFFFCFD]  }
0x187: {  	v36 =	vld [tilespmem:s22+$0xFFFFFD0D]  }
0x188: {  	v37 =	vld [tilespmem:s22+$0xFFFFFD1D]  }
0x189: {  	v38 =	vld [tilespmem:s22+$0xFFFFFDFE]  }
0x18a: {  	v39 =	vld [tilespmem:s22+$0xFFFFFE0E]  }
0x18b: {  	v48 =	vld [tilespmem:s22+$0x101];
	v4 =	vadd.s32 v4, v5  }
0x18c: {  	v49 =	vld [tilespmem:s22+$0x111];
	v4 =	vadd.s32 v6, v4  }
0x18d: {  	v50 =	vld [tilespmem:s22+$0x121];
	v4 =	vadd.s32 v7, v4  }
0x18e: {  	v51 =	vld [tilespmem:s22+$0x202];
	v4 =	vadd.s32 v8, v4  }
0x18f: {  	v52 =	vld [tilespmem:s22+$0x212];
	v4 =	vadd.s32 v9, v4  }
0x190: {  	v53 =	vld [tilespmem:s22+$0x222];
	v4 =	vadd.s32 v10, v4  }
0x191: {  	v54 =	vld [tilespmem:s22+$0x303];
	v4 =	vadd.s32 v11, v4  }
0x192: {  	v55 =	vld [tilespmem:s22+$0x313];
	v4 =	vadd.s32 v12, v4  }
0x193: {  	v57 =	vld [tilespmem:s22+$0x323];
	v4 =	vadd.s32 v13, v4  }
0x194: {  	v58 =	vld [tilespmem:s22+$0x404];
	v4 =	vadd.s32 v14, v4  }
0x195: {  	v59 =	vld [tilespmem:s22+$0x414];
	v4 =	vadd.s32 v15, v4  }
0x196: {  	v5 =	vld [tilespmem:s22+$0xFFFFFE1E];
	v4 =	vadd.s32 v16, v4  }
0x197: {  	v6 =	vld [tilespmem:s22+$0xFFFFFEFF];
	v4 =	vadd.s32 v17, v4  }
0x198: {  	v7 =	vld [tilespmem:s22+$0xFFFFFF0F];
	v4 =	vadd.s32 v18, v4  }
0x199: {  	v8 =	vld [tilespmem:s22+$0xFFFFFF1F];
	v19 =	vadd.s32 v19, v4;
	v4 =	vadd.s32 v25, v20  }
0x19a: {  	v21 =	vadd.s32 v21, v22;
	v56 =	vadd.s32 v23, v24;
	v9 =	vld [tilespmem:s22+$0x0];
	v4 =	vadd.s32 v26, v4  }
0x19b: {  	v21 =	vadd.s32 v27, v21;
	v22 =	vadd.s32 v28, v56;
	v10 =	vld [tilespmem:s22+$0x10];
	v4 =	vadd.s32 v29, v4  }
0x19c: {  	v21 =	vadd.s32 v30, v21;
	v22 =	vadd.s32 v31, v22;
	v11 =	vld [tilespmem:s22+$0x20];
	v4 =	vadd.s32 v32, v4  }
0x19d: {  	v60 =	vld [tilespmem:s22+$0x424];
	v21 =	vadd.s32 v33, v21;
	v22 =	vadd.s32 v34, v22;
	v4 =	vadd.s32 v35, v4  }
0x19e: {  	v61 =	vld [tilespmem:s22+$0x505];
	v21 =	vadd.s32 v36, v21;
	v22 =	vadd.s32 v37, v22;
	v4 =	vadd.s32 v38, v4  }
0x19f: {  	v62 =	vld [tilespmem:s22+$0x515];
	v21 =	vadd.s32 v39, v21;
	v5 =	vadd.s32 v5, v22;
	v4 =	vadd.s32 v6, v4  }
0x1a0: {  	v5 =	vadd.s32 v8, v5;
	v8 =	vld [tilespmem:s22+$0x525];
	v6 =	vadd.s32 v7, v21;
	v4 =	vadd.s32 v9, v4  }
0x1a1: {  	v5 =	vadd.s32 v11, v5;
	v6 =	vadd.s32 v10, v6;
	v10 =	vld [tilespmem:s22+$0x606];
	v4 =	vadd.s32 v48, v4  }
0x1a2: {  	v5 =	vadd.s32 v50, v5;
	v6 =	vadd.s32 v49, v6;
	v7 =	vadd.s32 v51, v4;
	v4 =	vld [tilespmem:s22+$0x616]  }
0x1a3: {  	v9 =	vadd.s32 v53, v5;
	v5 =	vld [tilespmem:s22+$0x626];
	v6 =	vadd.s32 v52, v6;
	v7 =	vadd.s32 v54, v7  }
0x1a4: {  	v9 =	vadd.s32 v57, v9;
	v11 =	vadd.s32 v55, v6;
	v6 =	vld [tilespmem:s22+$0x707];
	v7 =	vadd.s32 v58, v7  }
0x1a5: {  	v9 =	vadd.s32 v60, v9;
	v11 =	vadd.s32 v59, v11;
	v63 =	vadd.s32 v61, v7;
	v7 =	vld [tilespmem:s22+$0x717]  }
0x1a6: {  	s23 =	simm.s32 $0x0;
	[tilespmem:s21+$0x10] =	vst v19;
	v9 =	vadd.s32 v8, v9;
	v8 =	vld [tilespmem:s22+$0x727];
	v11 =	vadd.s32 v62, v11;
	s22 =	simm.s32 $0x10848;
	v10 =	vadd.s32 v10, v63  }
.LBB2_12:
0x1a7: {  	v12 =	vld [tilespmem:s22+$0xFFFFF828];
	v4 =	vadd.s32 v4, v11  }
0x1a8: {  	s23 =	sadd.s32 $0x4, s23;
	v11 =	vld [tilespmem:s22+$0xFFFFF929];
	v5 =	vadd.s32 v5, v9  }
0x1a9: {  	p1 =	slt.u32 s23, $0xC;
	v9 =	vld [tilespmem:s22+$0xFFFFFA2A];
	v6 =	vadd.s32 v6, v10  }
0x1aa: {  	v10 =	vld [tilespmem:s22+$0xFFFFFB2B];
	[tilespmem:s21+$0xFFFFFFE0] =	vst v6;
	v4 =	vadd.s32 v7, v4  }
0x1ab: {  	v6 =	vld [tilespmem:s22+$0xFFFFFC2C];
	[tilespmem:s21+$0xFFFFFFF0] =	vst v4;
	v4 =	vadd.s32 v8, v5  }
0x1ac: {  	v5 =	vld [tilespmem:s22+$0xFFFFFD2D];
	[tilespmem:s21+$0x0] =	vst v4  }
0x1ad: {  	v4 =	vadd.s32 v12, v11;
	v7 =	vld [tilespmem:s22+$0xFFFFFE2E]  }
0x1ae: {  	v4 =	vadd.s32 v9, v4;
	v8 =	vld [tilespmem:s22+$0xFFFFFF2F]  }
0x1af: {  	v4 =	vadd.s32 v10, v4;
	v9 =	vld [tilespmem:s22+$0x30]  }
0x1b0: {  	v4 =	vadd.s32 v6, v4;
	v6 =	vld [tilespmem:s22+$0x131]  }
0x1b1: {  	v4 =	vadd.s32 v5, v4;
	v5 =	vld [tilespmem:s22+$0x232]  }
0x1b2: {  	v4 =	vadd.s32 v7, v4;
	v7 =	vld [tilespmem:s22+$0x333]  }
0x1b3: {  	v4 =	vadd.s32 v8, v4;
	v8 =	vld [tilespmem:s22+$0x434]  }
0x1b4: {  	v4 =	vadd.s32 v9, v4;
	v9 =	vld [tilespmem:s22+$0x535]  }
0x1b5: {  	v4 =	vadd.s32 v6, v4;
	v6 =	vld [tilespmem:s22+$0x636]  }
0x1b6: {  	v4 =	vadd.s32 v5, v4;
	v5 =	vld [tilespmem:s22+$0x737]  }
0x1b7: {  	v10 =	vld [tilespmem:s22+$0xFFFFF8F9];
	v4 =	vadd.s32 v7, v4  }
0x1b8: {  	v7 =	vld [tilespmem:s22+$0xFFFFF808];
	v4 =	vadd.s32 v8, v4  }
0x1b9: {  	v8 =	vld [tilespmem:s22+$0xFFFFF909];
	v4 =	vadd.s32 v9, v4  }
0x1ba: {  	v9 =	vld [tilespmem:s22+$0xFFFFF818];
	v4 =	vadd.s32 v6, v4  }
0x1bb: {  	s21 =	sadd.s32 $0x40, s21;
	v6 =	vld [tilespmem:s22+$0xFFFFF919];
	v4 =	vadd.s32 v5, v4  }
0x1bc: {  	v5 =	vld [tilespmem:s22+$0xFFFFF7F8];
	[tilespmem:s21+$0x10] =	vst v4  }
0x1bd: {  	v4 =	vld [tilespmem:s22+$0xFFFFF9FA]  }
0x1be: {  	v7 =	vadd.s32 v7, v8;
	v8 =	vld [tilespmem:s22+$0xFFFFFA0A]  }
0x1bf: {  	v11 =	vld [tilespmem:s22+$0xFFFFFA1A]  }
0x1c0: {  	v12 =	vld [tilespmem:s22+$0xFFFFFAFB];
	v6 =	vadd.s32 v9, v6  }
0x1c1: {  	v5 =	vadd.s32 v5, v10;
	v9 =	vld [tilespmem:s22+$0xFFFFFB0B]  }
0x1c2: {  	v4 =	vadd.s32 v4, v5;
	v5 =	vld [tilespmem:s22+$0xFFFFFB1B]  }
0x1c3: {  	v10 =	vld [tilespmem:s22+$0xFFFFFBFC];
	v7 =	vadd.s32 v8, v7  }
0x1c4: {  	v8 =	vld [tilespmem:s22+$0xFFFFFC0C];
	v6 =	vadd.s32 v11, v6  }
0x1c5: {  	v4 =	vadd.s32 v12, v4;
	v11 =	vld [tilespmem:s22+$0xFFFFFC1C]  }
0x1c6: {  	v12 =	vld [tilespmem:s22+$0xFFFFFCFD];
	v7 =	vadd.s32 v9, v7  }
0x1c7: {  	v9 =	vld [tilespmem:s22+$0xFFFFFD0D];
	v5 =	vadd.s32 v5, v6  }
0x1c8: {  	v4 =	vadd.s32 v10, v4;
	v6 =	vld [tilespmem:s22+$0xFFFFFD1D]  }
0x1c9: {  	v10 =	vld [tilespmem:s22+$0xFFFFFDFE];
	v7 =	vadd.s32 v8, v7  }
0x1ca: {  	v8 =	vld [tilespmem:s22+$0xFFFFFE0E];
	v5 =	vadd.s32 v11, v5  }
0x1cb: {  	v4 =	vadd.s32 v12, v4;
	v11 =	vld [tilespmem:s22+$0xFFFFFE1E]  }
0x1cc: {  	v12 =	vld [tilespmem:s22+$0xFFFFFEFF];
	v7 =	vadd.s32 v9, v7  }
0x1cd: {  	v9 =	vld [tilespmem:s22+$0xFFFFFF0F];
	v5 =	vadd.s32 v6, v5  }
0x1ce: {  	v4 =	vadd.s32 v10, v4;
	v6 =	vld [tilespmem:s22+$0xFFFFFF1F]  }
0x1cf: {  	v10 =	vld [tilespmem:s22+$0x0];
	v7 =	vadd.s32 v8, v7  }
0x1d0: {  	v8 =	vld [tilespmem:s22+$0x10];
	v5 =	vadd.s32 v11, v5  }
0x1d1: {  	v4 =	vadd.s32 v12, v4;
	v11 =	vld [tilespmem:s22+$0x20]  }
0x1d2: {  	v12 =	vld [tilespmem:s22+$0x101];
	v7 =	vadd.s32 v9, v7  }
0x1d3: {  	v9 =	vld [tilespmem:s22+$0x111];
	v5 =	vadd.s32 v6, v5  }
0x1d4: {  	v4 =	vadd.s32 v10, v4;
	v6 =	vld [tilespmem:s22+$0x121]  }
0x1d5: {  	v10 =	vld [tilespmem:s22+$0x202];
	v7 =	vadd.s32 v8, v7  }
0x1d6: {  	v8 =	vld [tilespmem:s22+$0x212];
	v5 =	vadd.s32 v11, v5  }
0x1d7: {  	v4 =	vadd.s32 v12, v4;
	v11 =	vld [tilespmem:s22+$0x222]  }
0x1d8: {  	v12 =	vld [tilespmem:s22+$0x303];
	v7 =	vadd.s32 v9, v7  }
0x1d9: {  	v9 =	vld [tilespmem:s22+$0x313];
	v5 =	vadd.s32 v6, v5  }
0x1da: {  	v4 =	vadd.s32 v10, v4;
	v6 =	vld [tilespmem:s22+$0x323]  }
0x1db: {  	v10 =	vld [tilespmem:s22+$0x404];
	v7 =	vadd.s32 v8, v7  }
0x1dc: {  	v8 =	vld [tilespmem:s22+$0x414];
	v5 =	vadd.s32 v11, v5  }
0x1dd: {  	v4 =	vadd.s32 v12, v4;
	v11 =	vld [tilespmem:s22+$0x424]  }
0x1de: {  	v12 =	vld [tilespmem:s22+$0x505];
	v7 =	vadd.s32 v9, v7  }
0x1df: {  	v9 =	vld [tilespmem:s22+$0x515];
	v5 =	vadd.s32 v6, v5  }
0x1e0: {  	v6 =	vadd.s32 v10, v4;
	v10 =	vld [tilespmem:s22+$0x525]  }
0x1e1: {  	v13 =	vld [tilespmem:s22+$0x606];
	v7 =	vadd.s32 v8, v7  }
.Ltmp7:
0x1e2: {  	v4 =	vld [tilespmem:s22+$0x616];
	v8 =	vadd.s32 v11, v5;
	(pc) =	sbr.rel @p1 .LBB2_12-.Ltmp7, $4  }
0x1e3: {  	v12 =	vadd.s32 v12, v6;
	v5 =	vld [tilespmem:s22+$0x626]  }
0x1e4: {  	v6 =	vld [tilespmem:s22+$0x707];
	v11 =	vadd.s32 v9, v7  }
0x1e5: {  	v7 =	vld [tilespmem:s22+$0x717];
	v9 =	vadd.s32 v10, v8  }
0x1e6: {  	v10 =	vadd.s32 v13, v12;
	v8 =	vld [tilespmem:s22+$0x727];
	s22 =	sadd.s32 $0x40, s22  }
0x1e7: {  	_ =	sdelay $0x1  }
0x1e8: {  	v4 =	vadd.s32 v4, v11;
	v6 =	vadd.s32 v6, v10  }
0x1e9: {  	v5 =	vadd.s32 v5, v9;
	[tilespmem:s21+$0xFFFFFFE0] =	vst v6;
	v4 =	vadd.s32 v7, v4  }
0x1ea: {  	[tilespmem:s21+$0xFFFFFFF0] =	vst v4;
	v4 =	vadd.s32 v8, v5  }
0x1eb: {  	[tilespmem:s21+$0x0] =	vst v4  }
0x1ec: {  	[spmem:s7] =	stream.linear.scatter [tilespmem:s16], [sflag:$0x3], $0x100, $0x38;
	[tilespmem:$0x11800] =	vst v63  }
.Ltmp8:
0x1ed: {  	_ =	swait.ge [sflag:s17], $0x100;
	(pc) =	sbr.rel @p0 .LBB2_19-.Ltmp8, $3  }
0x1ee: {  	[sflag:s17] =	ssyncset.done $0x0  }
0x1ef: {  	[sflag:s17] =	ssyncadd.s32 $0xFFFFFF00  }
0x1f0: {  	[bflag:$0x0] =	sbarrier.arrive $0xFFFF;
	_ =	sdelay $0x1  }
0x1f1: {  	[tilespmem:s18], [sflag:$0x3] =	stream.linear.gather [spmem:s7], $0x400, $0x38;
	[tilespmem:$0x11800] =	vst v63  }
0x1f2: {  	_ =	swait.ge [sflag:s17], $0x400  }
0x1f3: {  	[sflag:s17] =	ssyncset.done $0x0  }
0x1f4: {  	s23 =	simm.s32 $0x11390;
	s21 =	simm.s32 $0x0;
	[sflag:s17] =	ssyncadd.s32 $0xFFFFFC00  }
0x1f5: {  	s22 =	sand.u32 $0xC0, s21;
	v4 =	vld [tilespmem:s23+$0xFFFFFDF0]  }
0x1f6: {  	v5 =	vld [tilespmem:s22+$0x11280]  }
0x1f7: {  	v6 =	vld [tilespmem:s22+$0x11380]  }
0x1f8: {  	v7 =	vld [tilespmem:s22+$0x11480]  }
0x1f9: {  	v8 =	vld [tilespmem:s23+$0xFFFFFE00]  }
0x1fa: {  	v9 =	vld [tilespmem:s23+$0xFFFFFF00]  }
0x1fb: {  	v10 =	vld [tilespmem:s23+$0xFFFFFE10]  }
0x1fc: {  	v11 =	vld [tilespmem:s23+$0xFFFFFF10]  }
0x1fd: {  	v12 =	vld [tilespmem:s23+$0xFFFFFE20]  }
0x1fe: {  	v13 =	vld [tilespmem:s23+$0xFFFFFF20]  }
0x1ff: {  	v14 =	vld [tilespmem:s23+$0x0]  }
0x200: {  	v5 =	vadd.s32 v4, v5;
	v4 =	vld [tilespmem:s23+$0x10]  }
0x201: {  	v15 =	vmov s21;
	v6 =	vadd.s32 v6, v5;
	v5 =	vld [tilespmem:s23+$0x20]  }
0x202: {  	vm0 =	veq.s32 v15, v0;
	v6 =	vadd.s32 v7, v6;
	v7 =	vld [tilespmem:s23+$0x100]  }
0x203: {  	s21 =	simm.s32 $0x115A0;
	v8 =	vadd.s32 v8, v9;
	v15 =	vsel vm0, $0x100000, v6;
	v6 =	vld [tilespmem:s23+$0x110]  }
0x204: {  	s24 =	simm.s32 $0x40;
	s22 =	simm.s32 $0x0;
	v9 =	vadd.s32 v10, v11;
	v10 =	vadd.s32 v12, v13;
	v11 =	vadd.s32 v14, v8;
	v8 =	vld [tilespmem:s23+$0x120];
	s23 =	simm.s32 $0x113D0;
	[tilespmem:s21+$0xFFFFFFE0] =	vst v15  }
.LBB2_15:
0x205: {  	v12 =	vld [tilespmem:s23+$0xFFFFFDF0];
	s25 =	sand.u32 $0xC0, s24;
	s22 =	sadd.s32 $0x4, s22;
	v4 =	vadd.s32 v4, v9  }
0x206: {  	v9 =	vld [tilespmem:s25+$0x11280];
	p1 =	slt.u32 s22, $0xC;
	v5 =	vadd.s32 v5, v10  }
0x207: {  	v10 =	vld [tilespmem:s25+$0x11380];
	v7 =	vadd.s32 v7, v11  }
0x208: {  	v11 =	vld [tilespmem:s25+$0x11480];
	[tilespmem:s21+$0xFFFFFFF0] =	vst v7;
	v4 =	vadd.s32 v6, v4  }
0x209: {  	v6 =	vld [tilespmem:s23+$0xFFFFFE00];
	[tilespmem:s21+$0x0] =	vst v4;
	v4 =	vadd.s32 v8, v5  }
0x20a: {  	v5 =	vld [tilespmem:s23+$0xFFFFFF00];
	[tilespmem:s21+$0x10] =	vst v4  }
0x20b: {  	v4 =	vadd.s32 v12, v9;
	v7 =	vld [tilespmem:s23+$0xFFFFFE10]  }
0x20c: {  	v8 =	vmov s24;
	v4 =	vadd.s32 v10, v4;
	v9 =	vld [tilespmem:s23+$0xFFFFFF10]  }
0x20d: {  	vm0 =	veq.s32 v8, v0;
	v4 =	vadd.s32 v11, v4;
	v8 =	vld [tilespmem:s23+$0xFFFFFE20]  }
0x20e: {  	s21 =	sadd.s32 $0x40, s21;
	v4 =	vsel vm0, $0x100000, v4;
	v10 =	vld [tilespmem:s23+$0xFFFFFF20]  }
0x20f: {  	[tilespmem:s21+$0xFFFFFFE0] =	vst v4;
	v11 =	vadd.s32 v6, v5;
	v12 =	vld [tilespmem:s23+$0x0]  }
.Ltmp9:
0x210: {  	v4 =	vld [tilespmem:s23+$0x10];
	(pc) =	sbr.rel @p1 .LBB2_15-.Ltmp9, $4  }
0x211: {  	v9 =	vadd.s32 v7, v9;
	v5 =	vld [tilespmem:s23+$0x20]  }
0x212: {  	v7 =	vld [tilespmem:s23+$0x100]  }
0x213: {  	v6 =	vld [tilespmem:s23+$0x110];
	v10 =	vadd.s32 v8, v10  }
0x214: {  	s24 =	sadd.s32 $0x40, s24;
	v11 =	vadd.s32 v12, v11;
	v8 =	vld [tilespmem:s23+$0x120];
	s23 =	sadd.s32 $0x40, s23  }
0x215: {  	_ =	sdelay $0x1  }
0x216: {  	v4 =	vadd.s32 v4, v9;
	v7 =	vadd.s32 v7, v11  }
0x217: {  	v5 =	vadd.s32 v5, v10;
	[tilespmem:s21+$0xFFFFFFF0] =	vst v7;
	v4 =	vadd.s32 v6, v4  }
0x218: {  	[tilespmem:s21+$0x0] =	vst v4;
	v4 =	vadd.s32 v8, v5  }
0x219: {  	[tilespmem:s21+$0x10] =	vst v4  }
0x21a: {  	v19 =	vld [tilespmem:$0x11580]  }
0x21b: {  	v20 =	vld [tilespmem:$0x11590]  }
0x21c: {  	v18 =	vld [tilespmem:$0x115A0]  }
0x21d: {  	v17 =	vld [tilespmem:$0x115B0]  }
0x21e: {  	v16 =	vld [tilespmem:$0x115C0]  }
0x21f: {  	v15 =	vld [tilespmem:$0x115D0]  }
0x220: {  	v14 =	vld [tilespmem:$0x115E0]  }
0x221: {  	v13 =	vld [tilespmem:$0x115F0]  }
0x222: {  	v12 =	vld [tilespmem:$0x11600]  }
0x223: {  	v11 =	vld [tilespmem:$0x11610]  }
0x224: {  	v10 =	vld [tilespmem:$0x11620]  }
0x225: {  	v9 =	vld [tilespmem:$0x11630]  }
0x226: {  	v8 =	vld [tilespmem:$0x11640]  }
0x227: {  	v6 =	vld [tilespmem:$0x11650]  }
0x228: {  	v21 =	vimm.s32 $0x800;
	v4 =	vimm.s32 $0x0;
	v7 =	vld [tilespmem:$0x11660]  }
0x229: {  	s21 =	simm.s32 $0xB;
	v5 =	vld [tilespmem:$0x11670];
	v22 =	vadd.s32 v4, v21  }
.LBB2_17:
0x22a: {  	p1 =	sne.s32 s21, $0x1;
	v22 =	vshra.s32 v22, $0x1  }
0x22b: {  	vm0 =	vle.s32 v19, v22;
	vm1 =	vle.s32 v20, v22  }
0x22c: {  	v23 =	vmpcnt.ones.xlane vm0;
	v24 =	vmpcnt.ones.xlane vm1;
	vm0 =	vle.s32 v18, v22  }
0x22d: {  	v25 =	vmpcnt.ones.xlane vm0;
	vm0 =	vle.s32 v17, v22  }
0x22e: {  	v23 =	vadd.s32 v23, v24;
	v24 =	vmpcnt.ones.xlane vm0;
	vm0 =	vle.s32 v16, v22  }
0x22f: {  	v23 =	vadd.s32 v23, v25;
	v25 =	vmpcnt.ones.xlane vm0;
	vm0 =	vle.s32 v15, v22  }
0x230: {  	v23 =	vadd.s32 v23, v24;
	v24 =	vmpcnt.ones.xlane vm0;
	vm0 =	vle.s32 v14, v22  }
0x231: {  	v23 =	vadd.s32 v23, v25;
	v25 =	vmpcnt.ones.xlane vm0;
	vm0 =	vle.s32 v13, v22  }
0x232: {  	v23 =	vadd.s32 v23, v24;
	v24 =	vmpcnt.ones.xlane vm0;
	vm0 =	vle.s32 v12, v22  }
0x233: {  	v23 =	vadd.s32 v23, v25;
	v25 =	vmpcnt.ones.xlane vm0;
	vm0 =	vle.s32 v11, v22  }
0x234: {  	v23 =	vadd.s32 v23, v24;
	v24 =	vmpcnt.ones.xlane vm0;
	vm0 =	vle.s32 v10, v22  }
0x235: {  	v23 =	vadd.s32 v23, v25;
	v25 =	vmpcnt.ones.xlane vm0;
	vm0 =	vle.s32 v9, v22  }
0x236: {  	v23 =	vadd.s32 v23, v24;
	v24 =	vmpcnt.ones.xlane vm0;
	vm0 =	vle.s32 v8, v22  }
0x237: {  	v23 =	vadd.s32 v23, v25;
	v25 =	vmpcnt.ones.xlane vm0;
	vm0 =	vle.s32 v6, v22  }
0x238: {  	v23 =	vadd.s32 v23, v24;
	v24 =	vmpcnt.ones.xlane vm0;
	vm0 =	vle.s32 v7, v22  }
0x239: {  	v23 =	vadd.s32 v23, v25;
	v25 =	vmpcnt.ones.xlane vm0;
	vm0 =	vle.s32 v5, v22  }
0x23a: {  	v23 =	vadd.s32 v23, v24;
	v24 =	vmpcnt.ones.xlane vm0  }
.Ltmp10:
0x23b: {  	v23 =	vadd.s32 v23, v25;
	(pc) =	sbr.rel @p1 .LBB2_17-.Ltmp10, $4  }
0x23c: {  	v23 =	vadd.s32 v23, v24  }
0x23d: {  	vm0 =	vgt.s32 v23, $0x7F;
	v23 =	vadd.s32 $0x1, v22  }
0x23e: {  	v4 =	vsel vm0, v4, v23;
	v21 =	vsel vm0, v22, v21  }
0x23f: {  	s21 =	sadd.s32 $0xFFFFFFFF, s21;
	v22 =	vadd.s32 v4, v21  }
.Ltmp11:
0x240: {  	_ = 	snop;
	(pc) =	sbr.rel .LBB2_18-.Ltmp11, $1  }
0x241: {  	_ =	sdelay $0x3  }
.LBB2_20:
0x242: {  	_ =	sfence.sel $0x180000  }
0x243: {  	[bflag:$0x0] =	sbarrier.arrive $0xFFFF  }
0x244: {  	p0 =	sne.s32 s0, $0x0;
	_ =	strace $0x90000047  }
0x245: {  	s0 =	sadd.s32 @!p0 $0x100000, s1;
	[bflag:$0x2] =	sbarrier.arrive $0xFFFF  }
0x246: {  	[sflag:s0] =	ssyncadd.tile.s32 @!p0 $0x1;
	_ =	shalt  }
.Lfunc_end2:
_tile_overlayer_lowered:
.L_overlay_start_2:
0x247: {  	(tag) =	ssettag $0x2  }
0x248: {  	s0 =	rddreg [dreg:$0x0];
	s2 =	stileid.u32  }
0x249: {  	s1 =	rddreg [dreg:$0x1];
	p0 =	sne.s32 s2, $0x0  }
0x24a: {  	s3 =	rddreg [dreg:$0x2];
	[bflag:$0x3] =	sbarrier.arrive $0xFFFF;
	s2 =	simm.s32 @!p0 $0x1C03  }
0x24b: {  	[timem:s3], [sflag:s2] =	dma.local @!p0 [hbm:s0], s1  }
0x24c: {  	s0 =	simm.s32 @!p0 $0x3  }
0x24d: {  	_ =	swait.ge @!p0 [sflag:s0], s1  }
0x24e: {  	s1 =	ssub.s32 @!p0 $0x0, s1;
	[sflag:s0] =	ssyncset.done @!p0 $0x0  }
0x24f: {  	[sflag:s0] =	ssyncadd.s32 @!p0 s1  }
0x250: {  	[bflag:$0x3] =	sbarrier.arrive $0xFFFF  }
0x251: {  	_ =	shalt  }

</sc_bundles>
